<compile_context>
chip_gen: v7x
topology: tpu7x:2x2x1
jax: 0.10.2.dev20260603
libtpu: 0.0.44.dev20260713+nightly
codegen_flags: <defaults>
</compile_context>

<pallas_src>
import functools

import jax
import jax.numpy as jnp
from jax import lax
from jax.experimental import pallas as pl
from jax.experimental.pallas import tpu as pltpu
from jax.experimental.pallas import tpu_sc as plsc

_LANES = 16



def _score_body(t_ref, g_ref, o_ref, *, n, block, off_blocks):
    i = pl.program_id(0)
    t = t_ref[...]
    g = g_ref[...]
    dot = jnp.sum(g * t, axis=0)
    gn2 = jnp.sum(g * g, axis=0)
    tn2 = jnp.sum(t * t)
    denom = jnp.maximum(gn2 * tn2, jnp.float32(1e-16))
    s = (dot * jnp.abs(dot) / denom).reshape(1, 1, block)
    col = lax.broadcasted_iota(jnp.int32, (1, 1, block), 2)
    valid = ((i + off_blocks) * block + col) < n
    o_ref[...] = jnp.where(valid, s, jnp.float32(-jnp.inf))


def _scores(tt, gt, block, nb, off_blocks, n):
    d = gt.shape[0]
    return pl.pallas_call(
        functools.partial(_score_body, n=n, block=block,
                          off_blocks=off_blocks),
        grid=(nb,),
        in_specs=[
            pl.BlockSpec((d, 1), lambda i: (0, 0)),
            pl.BlockSpec((d, block), lambda i: (0, i + off_blocks)),
        ],
        out_specs=pl.BlockSpec((1, 1, block), lambda i: (i, 0, 0)),
        out_shape=jax.ShapeDtypeStruct((nb, 1, block), jnp.float32),
        compiler_params=pltpu.CompilerParams(
            dimension_semantics=("parallel",)),
    )(tt, gt)



def _merge_sorted(top_v, top_i, sv, si):
    rv = lax.rev(sv, (0,))
    ri = lax.rev(si, (0,))
    m = top_v >= rv
    mv = jnp.where(m, top_v, rv)
    mi = jnp.where(m, top_i, ri)
    nv, ni = plsc.sort_key_val(mv, mi)
    return nv, ni


def _stage1_body(scores_hbm, vals_out, idxs_out, buf,
                 stage_v, stage_i, *, chunk, num_cores, glob_off):
    c = lax.axis_index("c")
    s = lax.axis_index("s")
    wid = s * num_cores + c
    base = wid * chunk
    pltpu.sync_copy(scores_hbm.at[pl.ds(base, chunk)], buf)
    lane = lax.iota(jnp.int32, _LANES)
    ninf = jnp.full((_LANES,), -jnp.inf, jnp.float32)

    def body(i, carry):
        top_v, top_i = carry
        v = buf[pl.ds(i * _LANES, _LANES)]
        iv = glob_off + base + i * _LANES + lane
        sv, si = plsc.sort_key_val(v, iv)
        return _merge_sorted(top_v, top_i, sv, si)

    init = (ninf, jnp.zeros((_LANES,), jnp.int32))
    top_v, top_i = lax.fori_loop(0, chunk // _LANES, body, init)
    stage_v[...] = top_v
    stage_i[...] = top_i
    pltpu.sync_copy(stage_v, vals_out.at[wid])
    pltpu.sync_copy(stage_i, idxs_out.at[wid])


def _stage2_body(vals_hbm, idxs_hbm, out_hbm, vbuf, ibuf, obuf, *,
                 workers, num_cores):
    c = lax.axis_index("c")
    s = lax.axis_index("s")
    wid = s * num_cores + c

    @pl.when(wid == 0)
    def _():
        pltpu.sync_copy(vals_hbm, vbuf)
        pltpu.sync_copy(idxs_hbm, ibuf)

        def body(j, carry):
            top_v, top_i = carry
            sv = vbuf[pl.ds(j * _LANES, _LANES)]
            si = ibuf[pl.ds(j * _LANES, _LANES)]
            return _merge_sorted(top_v, top_i, sv, si)

        init = (jnp.full((_LANES,), -jnp.inf, jnp.float32),
                jnp.zeros((_LANES,), jnp.int32))
        top_v, top_i = lax.fori_loop(0, workers, body, init)
        obuf[...] = lax.rev(top_i, (0,))
        pltpu.sync_copy(obuf, out_hbm)


def _stage1_call(scores_flat, glob_off, num_cores, workers, mesh):
    total = scores_flat.shape[0]
    chunk = total // workers
    return pl.kernel(
        functools.partial(_stage1_body, chunk=chunk, num_cores=num_cores,
                          glob_off=glob_off),
        mesh=mesh,
        out_type=[
            jax.ShapeDtypeStruct((workers, _LANES), jnp.float32),
            jax.ShapeDtypeStruct((workers, _LANES), jnp.int32),
        ],
        scratch_types=[
            pltpu.VMEM((chunk,), jnp.float32),
            pltpu.VMEM((_LANES,), jnp.float32),
            pltpu.VMEM((_LANES,), jnp.int32),
        ],
        compiler_params=pltpu.CompilerParams(needs_layout_passes=False),
    )(scores_flat)


def kernel(text_embedding, graph_embedding, top_k):
    del top_k
    n, d = graph_embedding.shape
    block = 32768
    nb = pl.cdiv(n, block)
    nb_a = (3 * nb) // 4
    nb_b = nb - nb_a

    info = plsc.get_sparse_core_info()
    num_cores, num_subcores = info.num_cores, info.num_subcores
    workers = num_cores * num_subcores
    mesh = plsc.VectorSubcoreMesh(core_axis_name="c", subcore_axis_name="s")

    gt = graph_embedding.T
    tt = text_embedding.T

    scores_a = _scores(tt, gt, block, nb_a, 0, n)
    va, ia = _stage1_call(scores_a.reshape(-1), 0, num_cores, workers, mesh)
    scores_b = _scores(tt, gt, block, nb_b, nb_a, n)
    vb, ib = _stage1_call(scores_b.reshape(-1), nb_a * block,
                          num_cores, workers, mesh)

    vals = jnp.concatenate([va, vb], axis=0)
    idxs = jnp.concatenate([ia, ib], axis=0)
    rows = 2 * workers
    out16 = pl.kernel(
        functools.partial(_stage2_body, workers=rows, num_cores=num_cores),
        mesh=mesh,
        out_type=jax.ShapeDtypeStruct((_LANES,), jnp.int32),
        scratch_types=[
            pltpu.VMEM((rows * _LANES,), jnp.float32),
            pltpu.VMEM((rows * _LANES,), jnp.int32),
            pltpu.VMEM((_LANES,), jnp.int32),
        ],
        compiler_params=pltpu.CompilerParams(needs_layout_passes=False),
    )(vals.reshape(-1), idxs.reshape(-1))
    return out16[:10]

# --- scband reference (transcript-rebuilt; emitter-appended) ---
"""Pipeline reference for scband-entity-linking-model-18476949308069 (READ-ONLY COPY).

The authoritative reference and input builder live on the scoring server;
editing this copy changes nothing except your own understanding.
"""

import jax, jax.numpy as jnp
import numpy as np


def setup_inputs(seed: int = 0) -> dict:
    key = jax.random.key(seed)
    k1, k2 = jax.random.split(key)
    text_embedding = jax.random.normal(k1, (1, 64), dtype=jnp.float32)
    graph_embedding = jax.random.normal(k2, (1000000, 64), dtype=jnp.float32)
    return {"text_embedding": text_embedding, "graph_embedding": graph_embedding, "top_k": 10}


def reference(text_embedding, graph_embedding, top_k):
    # Core retrieval step of EntityLinkingModel.forward (tokenization /
    # encoder calls replaced by precomputed embeddings):
    #   cosine_similarity(text_embedding.squeeze(0), graph_embedding.squeeze(0))
    #   .sort(descending=True) -> node_indices[:top_k]
    eps = 1e-8
    dot = jnp.sum(text_embedding * graph_embedding, axis=-1)  # broadcast [1,d]*[N,d] -> [N]
    tn = jnp.linalg.norm(text_embedding, axis=-1)  # [1]
    gn = jnp.linalg.norm(graph_embedding, axis=-1)  # [N]
    sims = dot / jnp.clip(tn * gn, eps)
    node_indices = jnp.argsort(-sims)  # descending sort indices
    start = top_k - top_k
    return jax.lax.dynamic_slice(node_indices, (start,), (10,))

if __name__ == "__main__":
    import jax
    _d = setup_inputs()
    print(jax.jit(kernel)(*tuple(_d.values())))

</pallas_src>

<mosaic_0001>
#map = affine_map<(d0, d1) -> (0)>
#map1 = affine_map<(d0, d1) -> (0, 0)>
module attributes {stable_mosaic.version = 14 : i64} {
  func.func @_stage1_body(%arg0: i32, %arg1: i32, %arg2: memref<262144xf32, #tpu.memory_space<hbm>>, %arg3: memref<32x16xf32, #tpu.memory_space<hbm>>, %arg4: memref<32x16xi32, #tpu.memory_space<hbm>>, %arg5: memref<8192xf32, #tpu.memory_space<vmem>>, %arg6: memref<16xf32, #tpu.memory_space<vmem>>, %arg7: memref<16xi32, #tpu.memory_space<vmem>>) attributes {dimension_semantics = [#tpu.dimension_semantics<core_parallel>, #tpu.dimension_semantics<subcore_parallel>], iteration_bounds = array<i64: 2, 16>, scalar_prefetch = 0 : i64, scratch_operands = 3 : i64, tpu.core_type = #tpu.core_type<sc_vector_subcore>, window_params = [{transform_indices = #map}, {transform_indices = #map1}, {transform_indices = #map1}]} {
    %mul3A = arith.constant 2 : i32
    %mul3A_0 = arith.muli %arg1, %mul3A : i32
    %add3A = arith.addi %mul3A_0, %arg0 : i32
    %mul3A_1 = arith.constant 8192 : i32
    %mul3A_2 = arith.muli %add3A, %mul3A_1 : i32
    "tpu.region"() ({
      %run_scoped3A = tpu.sem_alloc : memref<!tpu.dma_semaphore, #tpu.memory_space<semaphore_mem>>
      %dma_start3A = tpu.memref_slice %arg2[%mul3A_2] : memref<262144xf32, #tpu.memory_space<hbm>> -> memref<8192xf32, #tpu.memory_space<hbm>>
      %dma_start3A_14 = tpu.memref_slice %arg2[%mul3A_2] : memref<262144xf32, #tpu.memory_space<hbm>> -> memref<8192xf32, #tpu.memory_space<hbm>>
      tpu.enqueue_dma source(%dma_start3A_14 : memref<8192xf32, #tpu.memory_space<hbm>>) target(%arg5 : memref<8192xf32, #tpu.memory_space<vmem>>) target_semaphore(%run_scoped3A : memref<!tpu.dma_semaphore, #tpu.memory_space<semaphore_mem>>)
      %dma_wait3A = tpu.memref_slice %arg2[%mul3A_2] : memref<262144xf32, #tpu.memory_space<hbm>> -> memref<8192xf32, #tpu.memory_space<hbm>>
      %dma_wait3A_15 = tpu.memref_slice %arg2[%mul3A_2] : memref<262144xf32, #tpu.memory_space<hbm>> -> memref<8192xf32, #tpu.memory_space<hbm>>
      tpu.wait_dma2 semaphore(%run_scoped3A : memref<!tpu.dma_semaphore, #tpu.memory_space<semaphore_mem>>) src(%dma_wait3A_15 : memref<8192xf32, #tpu.memory_space<hbm>>) dst(%arg5 : memref<8192xf32, #tpu.memory_space<vmem>>)
      tpu.yield
    }) : () -> ()
    %iota3A = tpu.iota {dimensions = array<i32: 0>} : vector<16xi32>
    %broadcast_in_dim3A = arith.constant 0xFF800000 : f32
    %broadcast_in_dim3A_3 = vector.broadcast %broadcast_in_dim3A : f32 to vector<16xf32>
    %broadcast_in_dim3A_4 = arith.constant 0 : i32
    %broadcast_in_dim3A_5 = vector.broadcast %broadcast_in_dim3A_4 : i32 to vector<16xi32>
    %scan3A = arith.constant 0 : i32
    %scan3A_6 = arith.constant 512 : i32
    %scan3A_7 = arith.addi %scan3A, %scan3A_6 : i32
    %scan3A_8 = arith.constant 1 : i32
    %scan3A_9:2 = scf.for %scan3A_14 = %scan3A to %scan3A_7 step %scan3A_8 iter_args(%scan3A_15 = %broadcast_in_dim3A_3, %scan3A_16 = %broadcast_in_dim3A_5) -> (vector<16xf32>, vector<16xi32>)  : i32 {
      %mul3A_17 = arith.constant 16 : i32
      %mul3A_18 = arith.muli %scan3A_14, %mul3A_17 : i32
      %get3A = arith.index_cast %mul3A_18 : i32 to index
      %get3A_19 = tpu.vector_load %arg5[%get3A] {strides = array<i32>} : memref<8192xf32, #tpu.memory_space<vmem>>, vector<16xf32>,
      %add3A_20 = arith.constant 753664 : i32
      %add3A_21 = arith.addi %add3A_20, %mul3A_2 : i32
      %mul3A_22 = arith.constant 16 : i32
      %mul3A_23 = arith.muli %scan3A_14, %mul3A_22 : i32
      %add3A_24 = arith.addi %add3A_21, %mul3A_23 : i32
      %add3A_25 = vector.broadcast %add3A_24 : i32 to vector<16xi32>
      %add3A_26 = arith.addi %add3A_25, %iota3A : vector<16xi32>
      %masked_sort3A = arith.constant dense<true> : vector<16xi1>
      %masked_sort3A_27, %masked_sort3A_28, %masked_sort3A_29 = tpu.sort %get3A_19, %add3A_26 masked %masked_sort3A : (vector<16xf32>, vector<16xi32>, vector<16xi1>) -> (vector<16xi1>, vector<16xf32>, vector<16xi32>)
      %rev3A = arith.constant 15 : i32
      %rev3A_30 = vector.broadcast %rev3A : i32 to vector<16xi32>
      %rev3A_31 = tpu.iota {dimensions = array<i32: 0>} : vector<16xi32>
      %rev3A_32 = arith.subi %rev3A_30, %rev3A_31 : vector<16xi32>
      %rev3A_33 = tpu.dynamic_gather %masked_sort3A_28[%rev3A_32] in [0] : vector<16xf32>, vector<16xi32> -> vector<16xf32>
      %rev3A_34 = arith.constant 15 : i32
      %rev3A_35 = vector.broadcast %rev3A_34 : i32 to vector<16xi32>
      %rev3A_36 = tpu.iota {dimensions = array<i32: 0>} : vector<16xi32>
      %rev3A_37 = arith.subi %rev3A_35, %rev3A_36 : vector<16xi32>
      %rev3A_38 = tpu.dynamic_gather %masked_sort3A_29[%rev3A_37] in [0] : vector<16xi32>, vector<16xi32> -> vector<16xi32>
      %ge3A = arith.cmpf oge, %scan3A_15, %rev3A_33 : vector<16xf32>
      %select_n3A = arith.select %ge3A, %scan3A_15, %rev3A_33 : vector<16xi1>, vector<16xf32>
      %select_n3A_39 = arith.select %ge3A, %scan3A_16, %rev3A_38 : vector<16xi1>, vector<16xi32>
      %masked_sort3A_40 = arith.constant dense<true> : vector<16xi1>
      %masked_sort3A_41, %masked_sort3A_42, %masked_sort3A_43 = tpu.sort %select_n3A, %select_n3A_39 masked %masked_sort3A_40 : (vector<16xf32>, vector<16xi32>, vector<16xi1>) -> (vector<16xi1>, vector<16xf32>, vector<16xi32>)
      scf.yield %masked_sort3A_42, %masked_sort3A_43 : vector<16xf32>, vector<16xi32>
    }
    %scan3A_10 = arith.constant 512 : i32
    %swap3A = arith.constant 0 : index
    %swap3A_11 = tpu.vector_load %arg6[%swap3A] {strides = array<i32>} : memref<16xf32, #tpu.memory_space<vmem>>, vector<16xf32>,
    tpu.vector_store %arg6[%swap3A], %scan3A_9#0 {strides = array<i32>} : memref<16xf32, #tpu.memory_space<vmem>>, vector<16xf32>,
    %swap3A_12 = arith.constant 0 : index
    %swap3A_13 = tpu.vector_load %arg7[%swap3A_12] {strides = array<i32>} : memref<16xi32, #tpu.memory_space<vmem>>, vector<16xi32>,
    tpu.vector_store %arg7[%swap3A_12], %scan3A_9#1 {strides = array<i32>} : memref<16xi32, #tpu.memory_space<vmem>>, vector<16xi32>,
    "tpu.region"() ({
      %run_scoped3A = tpu.sem_alloc : memref<!tpu.dma_semaphore, #tpu.memory_space<semaphore_mem>>
      %dma_start3A = arith.constant 0 : i32
      %dma_start3A_14 = tpu.memref_slice %arg3[%add3A, %dma_start3A] : memref<32x16xf32, #tpu.memory_space<hbm>> -> memref<1x16xf32, #tpu.memory_space<hbm>>
      %dma_start3A_15 = tpu.memref_squeeze %dma_start3A_14 : memref<1x16xf32, #tpu.memory_space<hbm>> -> memref<16xf32, #tpu.memory_space<hbm>>
      %dma_start3A_16 = arith.constant 0 : i32
      %dma_start3A_17 = tpu.memref_slice %arg3[%add3A, %dma_start3A_16] : memref<32x16xf32, #tpu.memory_space<hbm>> -> memref<1x16xf32, #tpu.memory_space<hbm>>
      %dma_start3A_18 = tpu.memref_squeeze %dma_start3A_17 : memref<1x16xf32, #tpu.memory_space<hbm>> -> memref<16xf32, #tpu.memory_space<hbm>>
      tpu.enqueue_dma source(%arg6 : memref<16xf32, #tpu.memory_space<vmem>>) target(%dma_start3A_18 : memref<16xf32, #tpu.memory_space<hbm>>) target_semaphore(%run_scoped3A : memref<!tpu.dma_semaphore, #tpu.memory_space<semaphore_mem>>)
      %dma_wait3A = arith.constant 0 : i32
      %dma_wait3A_19 = tpu.memref_slice %arg3[%add3A, %dma_wait3A] : memref<32x16xf32, #tpu.memory_space<hbm>> -> memref<1x16xf32, #tpu.memory_space<hbm>>
      %dma_wait3A_20 = tpu.memref_squeeze %dma_wait3A_19 : memref<1x16xf32, #tpu.memory_space<hbm>> -> memref<16xf32, #tpu.memory_space<hbm>>
      %dma_wait3A_21 = arith.constant 0 : i32
      %dma_wait3A_22 = tpu.memref_slice %arg3[%add3A, %dma_wait3A_21] : memref<32x16xf32, #tpu.memory_space<hbm>> -> memref<1x16xf32, #tpu.memory_space<hbm>>
      %dma_wait3A_23 = tpu.memref_squeeze %dma_wait3A_22 : memref<1x16xf32, #tpu.memory_space<hbm>> -> memref<16xf32, #tpu.memory_space<hbm>>
      tpu.wait_dma2 semaphore(%run_scoped3A : memref<!tpu.dma_semaphore, #tpu.memory_space<semaphore_mem>>) src(%arg6 : memref<16xf32, #tpu.memory_space<vmem>>) dst(%dma_wait3A_23 : memref<16xf32, #tpu.memory_space<hbm>>)
      tpu.yield
    }) : () -> ()
    "tpu.region"() ({
      %run_scoped3A = tpu.sem_alloc : memref<!tpu.dma_semaphore, #tpu.memory_space<semaphore_mem>>
      %dma_start3A = arith.constant 0 : i32
      %dma_start3A_14 = tpu.memref_slice %arg4[%add3A, %dma_start3A] : memref<32x16xi32, #tpu.memory_space<hbm>> -> memref<1x16xi32, #tpu.memory_space<hbm>>
      %dma_start3A_15 = tpu.memref_squeeze %dma_start3A_14 : memref<1x16xi32, #tpu.memory_space<hbm>> -> memref<16xi32, #tpu.memory_space<hbm>>
      %dma_start3A_16 = arith.constant 0 : i32
      %dma_start3A_17 = tpu.memref_slice %arg4[%add3A, %dma_start3A_16] : memref<32x16xi32, #tpu.memory_space<hbm>> -> memref<1x16xi32, #tpu.memory_space<hbm>>
      %dma_start3A_18 = tpu.memref_squeeze %dma_start3A_17 : memref<1x16xi32, #tpu.memory_space<hbm>> -> memref<16xi32, #tpu.memory_space<hbm>>
      tpu.enqueue_dma source(%arg7 : memref<16xi32, #tpu.memory_space<vmem>>) target(%dma_start3A_18 : memref<16xi32, #tpu.memory_space<hbm>>) target_semaphore(%run_scoped3A : memref<!tpu.dma_semaphore, #tpu.memory_space<semaphore_mem>>)
      %dma_wait3A = arith.constant 0 : i32
      %dma_wait3A_19 = tpu.memref_slice %arg4[%add3A, %dma_wait3A] : memref<32x16xi32, #tpu.memory_space<hbm>> -> memref<1x16xi32, #tpu.memory_space<hbm>>
      %dma_wait3A_20 = tpu.memref_squeeze %dma_wait3A_19 : memref<1x16xi32, #tpu.memory_space<hbm>> -> memref<16xi32, #tpu.memory_space<hbm>>
      %dma_wait3A_21 = arith.constant 0 : i32
      %dma_wait3A_22 = tpu.memref_slice %arg4[%add3A, %dma_wait3A_21] : memref<32x16xi32, #tpu.memory_space<hbm>> -> memref<1x16xi32, #tpu.memory_space<hbm>>
      %dma_wait3A_23 = tpu.memref_squeeze %dma_wait3A_22 : memref<1x16xi32, #tpu.memory_space<hbm>> -> memref<16xi32, #tpu.memory_space<hbm>>
      tpu.wait_dma2 semaphore(%run_scoped3A : memref<!tpu.dma_semaphore, #tpu.memory_space<semaphore_mem>>) src(%arg7 : memref<16xi32, #tpu.memory_space<vmem>>) dst(%dma_wait3A_23 : memref<16xi32, #tpu.memory_space<hbm>>)
      tpu.yield
    }) : () -> ()
    return
  }
}

#map = affine_map<(d0, d1) -> (0)>
#map1 = affine_map<(d0, d1) -> (0, 0)>
module attributes {stable_mosaic.version = 14 : i64} {
  func.func @_stage1_body(%arg0: i32, %arg1: i32, %arg2: memref<753664xf32, #tpu.memory_space<hbm>>, %arg3: memref<32x16xf32, #tpu.memory_space<hbm>>, %arg4: memref<32x16xi32, #tpu.memory_space<hbm>>, %arg5: memref<23552xf32, #tpu.memory_space<vmem>>, %arg6: memref<16xf32, #tpu.memory_space<vmem>>, %arg7: memref<16xi32, #tpu.memory_space<vmem>>) attributes {dimension_semantics = [#tpu.dimension_semantics<core_parallel>, #tpu.dimension_semantics<subcore_parallel>], iteration_bounds = array<i64: 2, 16>, scalar_prefetch = 0 : i64, scratch_operands = 3 : i64, tpu.core_type = #tpu.core_type<sc_vector_subcore>, window_params = [{transform_indices = #map}, {transform_indices = #map1}, {transform_indices = #map1}]} {
    %mul3A = arith.constant 2 : i32
    %mul3A_0 = arith.muli %arg1, %mul3A : i32
    %add3A = arith.addi %mul3A_0, %arg0 : i32
    %mul3A_1 = arith.constant 23552 : i32
    %mul3A_2 = arith.muli %add3A, %mul3A_1 : i32
    "tpu.region"() ({
      %run_scoped3A = tpu.sem_alloc : memref<!tpu.dma_semaphore, #tpu.memory_space<semaphore_mem>>
      %dma_start3A = tpu.memref_slice %arg2[%mul3A_2] : memref<753664xf32, #tpu.memory_space<hbm>> -> memref<23552xf32, #tpu.memory_space<hbm>>
      %dma_start3A_14 = tpu.memref_slice %arg2[%mul3A_2] : memref<753664xf32, #tpu.memory_space<hbm>> -> memref<23552xf32, #tpu.memory_space<hbm>>
      tpu.enqueue_dma source(%dma_start3A_14 : memref<23552xf32, #tpu.memory_space<hbm>>) target(%arg5 : memref<23552xf32, #tpu.memory_space<vmem>>) target_semaphore(%run_scoped3A : memref<!tpu.dma_semaphore, #tpu.memory_space<semaphore_mem>>)
      %dma_wait3A = tpu.memref_slice %arg2[%mul3A_2] : memref<753664xf32, #tpu.memory_space<hbm>> -> memref<23552xf32, #tpu.memory_space<hbm>>
      %dma_wait3A_15 = tpu.memref_slice %arg2[%mul3A_2] : memref<753664xf32, #tpu.memory_space<hbm>> -> memref<23552xf32, #tpu.memory_space<hbm>>
      tpu.wait_dma2 semaphore(%run_scoped3A : memref<!tpu.dma_semaphore, #tpu.memory_space<semaphore_mem>>) src(%dma_wait3A_15 : memref<23552xf32, #tpu.memory_space<hbm>>) dst(%arg5 : memref<23552xf32, #tpu.memory_space<vmem>>)
      tpu.yield
    }) : () -> ()
    %iota3A = tpu.iota {dimensions = array<i32: 0>} : vector<16xi32>
    %broadcast_in_dim3A = arith.constant 0xFF800000 : f32
    %broadcast_in_dim3A_3 = vector.broadcast %broadcast_in_dim3A : f32 to vector<16xf32>
    %broadcast_in_dim3A_4 = arith.constant 0 : i32
    %broadcast_in_dim3A_5 = vector.broadcast %broadcast_in_dim3A_4 : i32 to vector<16xi32>
    %scan3A = arith.constant 0 : i32
    %scan3A_6 = arith.constant 1472 : i32
    %scan3A_7 = arith.addi %scan3A, %scan3A_6 : i32
    %scan3A_8 = arith.constant 1 : i32
    %scan3A_9:2 = scf.for %scan3A_14 = %scan3A to %scan3A_7 step %scan3A_8 iter_args(%scan3A_15 = %broadcast_in_dim3A_3, %scan3A_16 = %broadcast_in_dim3A_5) -> (vector<16xf32>, vector<16xi32>)  : i32 {
      %mul3A_17 = arith.constant 16 : i32
      %mul3A_18 = arith.muli %scan3A_14, %mul3A_17 : i32
      %get3A = arith.index_cast %mul3A_18 : i32 to index
      %get3A_19 = tpu.vector_load %arg5[%get3A] {strides = array<i32>} : memref<23552xf32, #tpu.memory_space<vmem>>, vector<16xf32>,
      %add3A_20 = arith.constant 0 : i32
      %add3A_21 = arith.addi %add3A_20, %mul3A_2 : i32
      %mul3A_22 = arith.constant 16 : i32
      %mul3A_23 = arith.muli %scan3A_14, %mul3A_22 : i32
      %add3A_24 = arith.addi %add3A_21, %mul3A_23 : i32
      %add3A_25 = vector.broadcast %add3A_24 : i32 to vector<16xi32>
      %add3A_26 = arith.addi %add3A_25, %iota3A : vector<16xi32>
      %masked_sort3A = arith.constant dense<true> : vector<16xi1>
      %masked_sort3A_27, %masked_sort3A_28, %masked_sort3A_29 = tpu.sort %get3A_19, %add3A_26 masked %masked_sort3A : (vector<16xf32>, vector<16xi32>, vector<16xi1>) -> (vector<16xi1>, vector<16xf32>, vector<16xi32>)
      %rev3A = arith.constant 15 : i32
      %rev3A_30 = vector.broadcast %rev3A : i32 to vector<16xi32>
      %rev3A_31 = tpu.iota {dimensions = array<i32: 0>} : vector<16xi32>
      %rev3A_32 = arith.subi %rev3A_30, %rev3A_31 : vector<16xi32>
      %rev3A_33 = tpu.dynamic_gather %masked_sort3A_28[%rev3A_32] in [0] : vector<16xf32>, vector<16xi32> -> vector<16xf32>
      %rev3A_34 = arith.constant 15 : i32
      %rev3A_35 = vector.broadcast %rev3A_34 : i32 to vector<16xi32>
      %rev3A_36 = tpu.iota {dimensions = array<i32: 0>} : vector<16xi32>
      %rev3A_37 = arith.subi %rev3A_35, %rev3A_36 : vector<16xi32>
      %rev3A_38 = tpu.dynamic_gather %masked_sort3A_29[%rev3A_37] in [0] : vector<16xi32>, vector<16xi32> -> vector<16xi32>
      %ge3A = arith.cmpf oge, %scan3A_15, %rev3A_33 : vector<16xf32>
      %select_n3A = arith.select %ge3A, %scan3A_15, %rev3A_33 : vector<16xi1>, vector<16xf32>
      %select_n3A_39 = arith.select %ge3A, %scan3A_16, %rev3A_38 : vector<16xi1>, vector<16xi32>
      %masked_sort3A_40 = arith.constant dense<true> : vector<16xi1>
      %masked_sort3A_41, %masked_sort3A_42, %masked_sort3A_43 = tpu.sort %select_n3A, %select_n3A_39 masked %masked_sort3A_40 : (vector<16xf32>, vector<16xi32>, vector<16xi1>) -> (vector<16xi1>, vector<16xf32>, vector<16xi32>)
      scf.yield %masked_sort3A_42, %masked_sort3A_43 : vector<16xf32>, vector<16xi32>
    }
    %scan3A_10 = arith.constant 1472 : i32
    %swap3A = arith.constant 0 : index
    %swap3A_11 = tpu.vector_load %arg6[%swap3A] {strides = array<i32>} : memref<16xf32, #tpu.memory_space<vmem>>, vector<16xf32>,
    tpu.vector_store %arg6[%swap3A], %scan3A_9#0 {strides = array<i32>} : memref<16xf32, #tpu.memory_space<vmem>>, vector<16xf32>,
    %swap3A_12 = arith.constant 0 : index
    %swap3A_13 = tpu.vector_load %arg7[%swap3A_12] {strides = array<i32>} : memref<16xi32, #tpu.memory_space<vmem>>, vector<16xi32>,
    tpu.vector_store %arg7[%swap3A_12], %scan3A_9#1 {strides = array<i32>} : memref<16xi32, #tpu.memory_space<vmem>>, vector<16xi32>,
    "tpu.region"() ({
      %run_scoped3A = tpu.sem_alloc : memref<!tpu.dma_semaphore, #tpu.memory_space<semaphore_mem>>
      %dma_start3A = arith.constant 0 : i32
      %dma_start3A_14 = tpu.memref_slice %arg3[%add3A, %dma_start3A] : memref<32x16xf32, #tpu.memory_space<hbm>> -> memref<1x16xf32, #tpu.memory_space<hbm>>
      %dma_start3A_15 = tpu.memref_squeeze %dma_start3A_14 : memref<1x16xf32, #tpu.memory_space<hbm>> -> memref<16xf32, #tpu.memory_space<hbm>>
      %dma_start3A_16 = arith.constant 0 : i32
      %dma_start3A_17 = tpu.memref_slice %arg3[%add3A, %dma_start3A_16] : memref<32x16xf32, #tpu.memory_space<hbm>> -> memref<1x16xf32, #tpu.memory_space<hbm>>
      %dma_start3A_18 = tpu.memref_squeeze %dma_start3A_17 : memref<1x16xf32, #tpu.memory_space<hbm>> -> memref<16xf32, #tpu.memory_space<hbm>>
      tpu.enqueue_dma source(%arg6 : memref<16xf32, #tpu.memory_space<vmem>>) target(%dma_start3A_18 : memref<16xf32, #tpu.memory_space<hbm>>) target_semaphore(%run_scoped3A : memref<!tpu.dma_semaphore, #tpu.memory_space<semaphore_mem>>)
      %dma_wait3A = arith.constant 0 : i32
      %dma_wait3A_19 = tpu.memref_slice %arg3[%add3A, %dma_wait3A] : memref<32x16xf32, #tpu.memory_space<hbm>> -> memref<1x16xf32, #tpu.memory_space<hbm>>
      %dma_wait3A_20 = tpu.memref_squeeze %dma_wait3A_19 : memref<1x16xf32, #tpu.memory_space<hbm>> -> memref<16xf32, #tpu.memory_space<hbm>>
      %dma_wait3A_21 = arith.constant 0 : i32
      %dma_wait3A_22 = tpu.memref_slice %arg3[%add3A, %dma_wait3A_21] : memref<32x16xf32, #tpu.memory_space<hbm>> -> memref<1x16xf32, #tpu.memory_space<hbm>>
      %dma_wait3A_23 = tpu.memref_squeeze %dma_wait3A_22 : memref<1x16xf32, #tpu.memory_space<hbm>> -> memref<16xf32, #tpu.memory_space<hbm>>
      tpu.wait_dma2 semaphore(%run_scoped3A : memref<!tpu.dma_semaphore, #tpu.memory_space<semaphore_mem>>) src(%arg6 : memref<16xf32, #tpu.memory_space<vmem>>) dst(%dma_wait3A_23 : memref<16xf32, #tpu.memory_space<hbm>>)
      tpu.yield
    }) : () -> ()
    "tpu.region"() ({
      %run_scoped3A = tpu.sem_alloc : memref<!tpu.dma_semaphore, #tpu.memory_space<semaphore_mem>>
      %dma_start3A = arith.constant 0 : i32
      %dma_start3A_14 = tpu.memref_slice %arg4[%add3A, %dma_start3A] : memref<32x16xi32, #tpu.memory_space<hbm>> -> memref<1x16xi32, #tpu.memory_space<hbm>>
      %dma_start3A_15 = tpu.memref_squeeze %dma_start3A_14 : memref<1x16xi32, #tpu.memory_space<hbm>> -> memref<16xi32, #tpu.memory_space<hbm>>
      %dma_start3A_16 = arith.constant 0 : i32
      %dma_start3A_17 = tpu.memref_slice %arg4[%add3A, %dma_start3A_16] : memref<32x16xi32, #tpu.memory_space<hbm>> -> memref<1x16xi32, #tpu.memory_space<hbm>>
      %dma_start3A_18 = tpu.memref_squeeze %dma_start3A_17 : memref<1x16xi32, #tpu.memory_space<hbm>> -> memref<16xi32, #tpu.memory_space<hbm>>
      tpu.enqueue_dma source(%arg7 : memref<16xi32, #tpu.memory_space<vmem>>) target(%dma_start3A_18 : memref<16xi32, #tpu.memory_space<hbm>>) target_semaphore(%run_scoped3A : memref<!tpu.dma_semaphore, #tpu.memory_space<semaphore_mem>>)
      %dma_wait3A = arith.constant 0 : i32
      %dma_wait3A_19 = tpu.memref_slice %arg4[%add3A, %dma_wait3A] : memref<32x16xi32, #tpu.memory_space<hbm>> -> memref<1x16xi32, #tpu.memory_space<hbm>>
      %dma_wait3A_20 = tpu.memref_squeeze %dma_wait3A_19 : memref<1x16xi32, #tpu.memory_space<hbm>> -> memref<16xi32, #tpu.memory_space<hbm>>
      %dma_wait3A_21 = arith.constant 0 : i32
      %dma_wait3A_22 = tpu.memref_slice %arg4[%add3A, %dma_wait3A_21] : memref<32x16xi32, #tpu.memory_space<hbm>> -> memref<1x16xi32, #tpu.memory_space<hbm>>
      %dma_wait3A_23 = tpu.memref_squeeze %dma_wait3A_22 : memref<1x16xi32, #tpu.memory_space<hbm>> -> memref<16xi32, #tpu.memory_space<hbm>>
      tpu.wait_dma2 semaphore(%run_scoped3A : memref<!tpu.dma_semaphore, #tpu.memory_space<semaphore_mem>>) src(%arg7 : memref<16xi32, #tpu.memory_space<vmem>>) dst(%dma_wait3A_23 : memref<16xi32, #tpu.memory_space<hbm>>)
      tpu.yield
    }) : () -> ()
    return
  }
}

#map = affine_map<(d0, d1) -> (0)>
module attributes {stable_mosaic.version = 14 : i64} {
  func.func @_stage2_body(%arg0: i32, %arg1: i32, %arg2: memref<1024xf32, #tpu.memory_space<hbm>>, %arg3: memref<1024xi32, #tpu.memory_space<hbm>>, %arg4: memref<16xi32, #tpu.memory_space<hbm>>, %arg5: memref<1024xf32, #tpu.memory_space<vmem>>, %arg6: memref<1024xi32, #tpu.memory_space<vmem>>, %arg7: memref<16xi32, #tpu.memory_space<vmem>>) attributes {dimension_semantics = [#tpu.dimension_semantics<core_parallel>, #tpu.dimension_semantics<subcore_parallel>], iteration_bounds = array<i64: 2, 16>, scalar_prefetch = 0 : i64, scratch_operands = 3 : i64, tpu.core_type = #tpu.core_type<sc_vector_subcore>, window_params = [{transform_indices = #map}, {transform_indices = #map}, {transform_indices = #map}]} {
    %mul3A = arith.constant 2 : i32
    %mul3A_0 = arith.muli %arg1, %mul3A : i32
    %add3A = arith.addi %mul3A_0, %arg0 : i32
    %eq3A = arith.constant 0 : i32
    %eq3A_1 = arith.cmpi eq, %add3A, %eq3A : i32
    %convert_element_type3A = arith.extui %eq3A_1 : i1 to i32
    %cond3A = arith.constant 0 : i32
    %cond3A_2 = arith.cmpi ne, %convert_element_type3A, %cond3A : i32
    scf.if %cond3A_2 {
      "tpu.region"() ({
        %run_scoped3A = tpu.sem_alloc : memref<!tpu.dma_semaphore, #tpu.memory_space<semaphore_mem>>
        tpu.enqueue_dma source(%arg2 : memref<1024xf32, #tpu.memory_space<hbm>>) target(%arg5 : memref<1024xf32, #tpu.memory_space<vmem>>) target_semaphore(%run_scoped3A : memref<!tpu.dma_semaphore, #tpu.memory_space<semaphore_mem>>)
        tpu.wait_dma2 semaphore(%run_scoped3A : memref<!tpu.dma_semaphore, #tpu.memory_space<semaphore_mem>>) src(%arg2 : memref<1024xf32, #tpu.memory_space<hbm>>) dst(%arg5 : memref<1024xf32, #tpu.memory_space<vmem>>)
        tpu.yield
      }) : () -> ()
      "tpu.region"() ({
        %run_scoped3A = tpu.sem_alloc : memref<!tpu.dma_semaphore, #tpu.memory_space<semaphore_mem>>
        tpu.enqueue_dma source(%arg3 : memref<1024xi32, #tpu.memory_space<hbm>>) target(%arg6 : memref<1024xi32, #tpu.memory_space<vmem>>) target_semaphore(%run_scoped3A : memref<!tpu.dma_semaphore, #tpu.memory_space<semaphore_mem>>)
        tpu.wait_dma2 semaphore(%run_scoped3A : memref<!tpu.dma_semaphore, #tpu.memory_space<semaphore_mem>>) src(%arg3 : memref<1024xi32, #tpu.memory_space<hbm>>) dst(%arg6 : memref<1024xi32, #tpu.memory_space<vmem>>)
        tpu.yield
      }) : () -> ()
      %broadcast_in_dim3A = arith.constant 0xFF800000 : f32
      %broadcast_in_dim3A_3 = vector.broadcast %broadcast_in_dim3A : f32 to vector<16xf32>
      %broadcast_in_dim3A_4 = arith.constant 0 : i32
      %broadcast_in_dim3A_5 = vector.broadcast %broadcast_in_dim3A_4 : i32 to vector<16xi32>
      %scan3A = arith.constant 0 : i32
      %scan3A_6 = arith.constant 64 : i32
      %scan3A_7 = arith.addi %scan3A, %scan3A_6 : i32
      %scan3A_8 = arith.constant 1 : i32
      %scan3A_9:2 = scf.for %scan3A_16 = %scan3A to %scan3A_7 step %scan3A_8 iter_args(%scan3A_17 = %broadcast_in_dim3A_3, %scan3A_18 = %broadcast_in_dim3A_5) -> (vector<16xf32>, vector<16xi32>)  : i32 {
        %mul3A_19 = arith.constant 16 : i32
        %mul3A_20 = arith.muli %scan3A_16, %mul3A_19 : i32
        %get3A = arith.index_cast %mul3A_20 : i32 to index
        %get3A_21 = tpu.vector_load %arg5[%get3A] {strides = array<i32>} : memref<1024xf32, #tpu.memory_space<vmem>>, vector<16xf32>,
        %mul3A_22 = arith.constant 16 : i32
        %mul3A_23 = arith.muli %scan3A_16, %mul3A_22 : i32
        %get3A_24 = arith.index_cast %mul3A_23 : i32 to index
        %get3A_25 = tpu.vector_load %arg6[%get3A_24] {strides = array<i32>} : memref<1024xi32, #tpu.memory_space<vmem>>, vector<16xi32>,
        %rev3A_26 = arith.constant 15 : i32
        %rev3A_27 = vector.broadcast %rev3A_26 : i32 to vector<16xi32>
        %rev3A_28 = tpu.iota {dimensions = array<i32: 0>} : vector<16xi32>
        %rev3A_29 = arith.subi %rev3A_27, %rev3A_28 : vector<16xi32>
        %rev3A_30 = tpu.dynamic_gather %get3A_21[%rev3A_29] in [0] : vector<16xf32>, vector<16xi32> -> vector<16xf32>
        %rev3A_31 = arith.constant 15 : i32
        %rev3A_32 = vector.broadcast %rev3A_31 : i32 to vector<16xi32>
        %rev3A_33 = tpu.iota {dimensions = array<i32: 0>} : vector<16xi32>
        %rev3A_34 = arith.subi %rev3A_32, %rev3A_33 : vector<16xi32>
        %rev3A_35 = tpu.dynamic_gather %get3A_25[%rev3A_34] in [0] : vector<16xi32>, vector<16xi32> -> vector<16xi32>
        %ge3A = arith.cmpf oge, %scan3A_17, %rev3A_30 : vector<16xf32>
        %select_n3A = arith.select %ge3A, %scan3A_17, %rev3A_30 : vector<16xi1>, vector<16xf32>
        %select_n3A_36 = arith.select %ge3A, %scan3A_18, %rev3A_35 : vector<16xi1>, vector<16xi32>
        %masked_sort3A = arith.constant dense<true> : vector<16xi1>
        %masked_sort3A_37, %masked_sort3A_38, %masked_sort3A_39 = tpu.sort %select_n3A, %select_n3A_36 masked %masked_sort3A : (vector<16xf32>, vector<16xi32>, vector<16xi1>) -> (vector<16xi1>, vector<16xf32>, vector<16xi32>)
        scf.yield %masked_sort3A_38, %masked_sort3A_39 : vector<16xf32>, vector<16xi32>
      }
      %scan3A_10 = arith.constant 64 : i32
      %rev3A = arith.constant 15 : i32
      %rev3A_11 = vector.broadcast %rev3A : i32 to vector<16xi32>
      %rev3A_12 = tpu.iota {dimensions = array<i32: 0>} : vector<16xi32>
      %rev3A_13 = arith.subi %rev3A_11, %rev3A_12 : vector<16xi32>
      %rev3A_14 = tpu.dynamic_gather %scan3A_9#1[%rev3A_13] in [0] : vector<16xi32>, vector<16xi32> -> vector<16xi32>
      %swap3A = arith.constant 0 : index
      %swap3A_15 = tpu.vector_load %arg7[%swap3A] {strides = array<i32>} : memref<16xi32, #tpu.memory_space<vmem>>, vector<16xi32>,
      tpu.vector_store %arg7[%swap3A], %rev3A_14 {strides = array<i32>} : memref<16xi32, #tpu.memory_space<vmem>>, vector<16xi32>,
      "tpu.region"() ({
        %run_scoped3A = tpu.sem_alloc : memref<!tpu.dma_semaphore, #tpu.memory_space<semaphore_mem>>
        tpu.enqueue_dma source(%arg7 : memref<16xi32, #tpu.memory_space<vmem>>) target(%arg4 : memref<16xi32, #tpu.memory_space<hbm>>) target_semaphore(%run_scoped3A : memref<!tpu.dma_semaphore, #tpu.memory_space<semaphore_mem>>)
        tpu.wait_dma2 semaphore(%run_scoped3A : memref<!tpu.dma_semaphore, #tpu.memory_space<semaphore_mem>>) src(%arg7 : memref<16xi32, #tpu.memory_space<vmem>>) dst(%arg4 : memref<16xi32, #tpu.memory_space<hbm>>)
        tpu.yield
      }) : () -> ()
    } else {
    }
    return
  }
}

module attributes {stable_mosaic.version = 14 : i64} {
  func.func @_score_body(%arg0: i32, %arg1: memref<64x1xf32, #tpu.memory_space<vmem>>, %arg2: memref<64x32768xf32, #tpu.memory_space<vmem>>, %arg3: memref<1x1x32768xf32, #tpu.memory_space<vmem>>) attributes {dimension_semantics = [#tpu.dimension_semantics<parallel>], iteration_bounds = array<i64: 23>, scalar_prefetch = 0 : i64, scratch_operands = 0 : i64, tpu.core_type = #tpu.core_type<tc>, window_params = [{pipeline_mode = #tpu.pipeline_mode<synchronous>, transform_indices = @transform_0, window_bounds = array<i64: 64, 1>}, {transform_indices = @transform_1, window_bounds = array<i64: 64, 32768>}, {transform_indices = @transform_2, window_bounds = array<i64: 1, 1, 32768>}]} {
    %get3A = arith.constant 0 : index
    %get3A_0 = arith.constant 0 : index
    %get3A_1 = vector.load %arg1[%get3A, %get3A_0] : memref<64x1xf32, #tpu.memory_space<vmem>>, vector<64x1xf32>
    %get3A_2 = arith.constant 0 : index
    %get3A_3 = arith.constant 0 : index
    %get3A_4 = vector.load %arg2[%get3A_2, %get3A_3] : memref<64x32768xf32, #tpu.memory_space<vmem>>, vector<64x32768xf32>
    %mul3A = vector.broadcast %get3A_1 : vector<64x1xf32> to vector<64x32768xf32>
    %mul3A_5 = arith.mulf %get3A_4, %mul3A : vector<64x32768xf32>
    %reduce_sum3A = arith.constant dense<0.000000e+00> : vector<32768xf32>
    %reduce_sum3A_6 = vector.multi_reduction <add>, %mul3A_5, %reduce_sum3A [0] : vector<64x32768xf32> to vector<32768xf32>
    %mul3A_7 = arith.mulf %get3A_4, %get3A_4 : vector<64x32768xf32>
    %reduce_sum3A_8 = arith.constant dense<0.000000e+00> : vector<32768xf32>
    %reduce_sum3A_9 = vector.multi_reduction <add>, %mul3A_7, %reduce_sum3A_8 [0] : vector<64x32768xf32> to vector<32768xf32>
    %mul3A_10 = arith.mulf %get3A_1, %get3A_1 : vector<64x1xf32>
    %reduce_sum3A_11 = vector.shape_cast %mul3A_10 : vector<64x1xf32> to vector<1x64x1xf32>
    %reduce_sum3A_12 = arith.constant dense<0.000000e+00> : vector<1xf32>
    %reduce_sum3A_13 = vector.multi_reduction <add>, %reduce_sum3A_11, %reduce_sum3A_12 [1, 2] : vector<1x64x1xf32> to vector<1xf32>
    %reduce_sum3A_14 = vector.shape_cast %reduce_sum3A_13 : vector<1xf32> to vector<1x1x1xf32>
    %reduce_sum3A_15 = vector.extract %reduce_sum3A_14[0, 0, 0] : f32 from vector<1x1x1xf32>
    %mul3A_16 = vector.broadcast %reduce_sum3A_15 : f32 to vector<32768xf32>
    %mul3A_17 = arith.mulf %reduce_sum3A_9, %mul3A_16 : vector<32768xf32>
    %max3A = arith.constant 1.000000e-16 : f32
    %max3A_18 = vector.broadcast %max3A : f32 to vector<32768xf32>
    %max3A_19 = arith.maximumf %mul3A_17, %max3A_18 : vector<32768xf32>
    %abs3A = math.absf %reduce_sum3A_6 : vector<32768xf32>
    %mul3A_20 = arith.mulf %reduce_sum3A_6, %abs3A : vector<32768xf32>
    %div3A = arith.divf %mul3A_20, %max3A_19 : vector<32768xf32>
    %reshape3A = vector.shape_cast %div3A : vector<32768xf32> to vector<1x1x32768xf32>
    %iota3A = tpu.iota {dimensions = array<i32: 2>} : vector<1x1x32768xi32>
    %add3A = arith.constant 0 : i32
    %add3A_21 = arith.addi %arg0, %add3A : i32
    %mul3A_22 = arith.constant 32768 : i32
    %mul3A_23 = arith.muli %add3A_21, %mul3A_22 : i32
    %add3A_24 = vector.broadcast %mul3A_23 : i32 to vector<1x1x32768xi32>
    %add3A_25 = arith.addi %add3A_24, %iota3A : vector<1x1x32768xi32>
    %lt3A = arith.constant 1000000 : i32
    %lt3A_26 = vector.broadcast %lt3A : i32 to vector<1x1x32768xi32>
    %lt3A_27 = arith.cmpi slt, %add3A_25, %lt3A_26 : vector<1x1x32768xi32>
    %jit3A = arith.constant 0xFF800000 : f32
    %broadcast_in_dim3A = vector.broadcast %jit3A : f32 to vector<1x1x32768xf32>
    %select_n3A = arith.select %lt3A_27, %reshape3A, %broadcast_in_dim3A : vector<1x1x32768xi1>, vector<1x1x32768xf32>
    %swap3A = arith.constant 0 : index
    %swap3A_28 = arith.constant 0 : index
    %swap3A_29 = arith.constant 0 : index
    %swap3A_30 = vector.load %arg3[%swap3A, %swap3A_28, %swap3A_29] : memref<1x1x32768xf32, #tpu.memory_space<vmem>>, vector<1x1x32768xf32>
    tpu.vector_store %arg3[%swap3A, %swap3A_28, %swap3A_29], %select_n3A {strides = array<i32>} : memref<1x1x32768xf32, #tpu.memory_space<vmem>>, vector<1x1x32768xf32>,
    return
  }
  func.func @transform_0(%arg0: i32) -> (i32, i32) {
    %c0_i32 = arith.constant 0 : i32
    %c0_i32_0 = arith.constant 0 : i32
    %c0_i32_1 = arith.constant 0 : i32
    return %c0_i32, %c0_i32_0 : i32, i32
  }
  func.func @transform_1(%arg0: i32) -> (i32, i32) {
    %add3A = arith.constant 0 : i32
    %add3A_0 = arith.addi %arg0, %add3A : i32
    %c0_i32 = arith.constant 0 : i32
    %c0_i32_1 = arith.constant 0 : i32
    return %c0_i32, %add3A_0 : i32, i32
  }
  func.func @transform_2(%arg0: i32) -> (i32, i32, i32) {
    %c0_i32 = arith.constant 0 : i32
    %c0_i32_0 = arith.constant 0 : i32
    %c0_i32_1 = arith.constant 0 : i32
    return %arg0, %c0_i32, %c0_i32_0 : i32, i32, i32
  }
}

module attributes {stable_mosaic.version = 14 : i64} {
  func.func @_score_body(%arg0: i32, %arg1: memref<64x1xf32, #tpu.memory_space<vmem>>, %arg2: memref<64x32768xf32, #tpu.memory_space<vmem>>, %arg3: memref<1x1x32768xf32, #tpu.memory_space<vmem>>) attributes {dimension_semantics = [#tpu.dimension_semantics<parallel>], iteration_bounds = array<i64: 8>, scalar_prefetch = 0 : i64, scratch_operands = 0 : i64, tpu.core_type = #tpu.core_type<tc>, window_params = [{pipeline_mode = #tpu.pipeline_mode<synchronous>, transform_indices = @transform_0, window_bounds = array<i64: 64, 1>}, {transform_indices = @transform_1, window_bounds = array<i64: 64, 32768>}, {transform_indices = @transform_2, window_bounds = array<i64: 1, 1, 32768>}]} {
    %get3A = arith.constant 0 : index
    %get3A_0 = arith.constant 0 : index
    %get3A_1 = vector.load %arg1[%get3A, %get3A_0] : memref<64x1xf32, #tpu.memory_space<vmem>>, vector<64x1xf32>
    %get3A_2 = arith.constant 0 : index
    %get3A_3 = arith.constant 0 : index
    %get3A_4 = vector.load %arg2[%get3A_2, %get3A_3] : memref<64x32768xf32, #tpu.memory_space<vmem>>, vector<64x32768xf32>
    %mul3A = vector.broadcast %get3A_1 : vector<64x1xf32> to vector<64x32768xf32>
    %mul3A_5 = arith.mulf %get3A_4, %mul3A : vector<64x32768xf32>
    %reduce_sum3A = arith.constant dense<0.000000e+00> : vector<32768xf32>
    %reduce_sum3A_6 = vector.multi_reduction <add>, %mul3A_5, %reduce_sum3A [0] : vector<64x32768xf32> to vector<32768xf32>
    %mul3A_7 = arith.mulf %get3A_4, %get3A_4 : vector<64x32768xf32>
    %reduce_sum3A_8 = arith.constant dense<0.000000e+00> : vector<32768xf32>
    %reduce_sum3A_9 = vector.multi_reduction <add>, %mul3A_7, %reduce_sum3A_8 [0] : vector<64x32768xf32> to vector<32768xf32>
    %mul3A_10 = arith.mulf %get3A_1, %get3A_1 : vector<64x1xf32>
    %reduce_sum3A_11 = vector.shape_cast %mul3A_10 : vector<64x1xf32> to vector<1x64x1xf32>
    %reduce_sum3A_12 = arith.constant dense<0.000000e+00> : vector<1xf32>
    %reduce_sum3A_13 = vector.multi_reduction <add>, %reduce_sum3A_11, %reduce_sum3A_12 [1, 2] : vector<1x64x1xf32> to vector<1xf32>
    %reduce_sum3A_14 = vector.shape_cast %reduce_sum3A_13 : vector<1xf32> to vector<1x1x1xf32>
    %reduce_sum3A_15 = vector.extract %reduce_sum3A_14[0, 0, 0] : f32 from vector<1x1x1xf32>
    %mul3A_16 = vector.broadcast %reduce_sum3A_15 : f32 to vector<32768xf32>
    %mul3A_17 = arith.mulf %reduce_sum3A_9, %mul3A_16 : vector<32768xf32>
    %max3A = arith.constant 1.000000e-16 : f32
    %max3A_18 = vector.broadcast %max3A : f32 to vector<32768xf32>
    %max3A_19 = arith.maximumf %mul3A_17, %max3A_18 : vector<32768xf32>
    %abs3A = math.absf %reduce_sum3A_6 : vector<32768xf32>
    %mul3A_20 = arith.mulf %reduce_sum3A_6, %abs3A : vector<32768xf32>
    %div3A = arith.divf %mul3A_20, %max3A_19 : vector<32768xf32>
    %reshape3A = vector.shape_cast %div3A : vector<32768xf32> to vector<1x1x32768xf32>
    %iota3A = tpu.iota {dimensions = array<i32: 2>} : vector<1x1x32768xi32>
    %add3A = arith.constant 23 : i32
    %add3A_21 = arith.addi %arg0, %add3A : i32
    %mul3A_22 = arith.constant 32768 : i32
    %mul3A_23 = arith.muli %add3A_21, %mul3A_22 : i32
    %add3A_24 = vector.broadcast %mul3A_23 : i32 to vector<1x1x32768xi32>
    %add3A_25 = arith.addi %add3A_24, %iota3A : vector<1x1x32768xi32>
    %lt3A = arith.constant 1000000 : i32
    %lt3A_26 = vector.broadcast %lt3A : i32 to vector<1x1x32768xi32>
    %lt3A_27 = arith.cmpi slt, %add3A_25, %lt3A_26 : vector<1x1x32768xi32>
    %jit3A = arith.constant 0xFF800000 : f32
    %broadcast_in_dim3A = vector.broadcast %jit3A : f32 to vector<1x1x32768xf32>
    %select_n3A = arith.select %lt3A_27, %reshape3A, %broadcast_in_dim3A : vector<1x1x32768xi1>, vector<1x1x32768xf32>
    %swap3A = arith.constant 0 : index
    %swap3A_28 = arith.constant 0 : index
    %swap3A_29 = arith.constant 0 : index
    %swap3A_30 = vector.load %arg3[%swap3A, %swap3A_28, %swap3A_29] : memref<1x1x32768xf32, #tpu.memory_space<vmem>>, vector<1x1x32768xf32>
    tpu.vector_store %arg3[%swap3A, %swap3A_28, %swap3A_29], %select_n3A {strides = array<i32>} : memref<1x1x32768xf32, #tpu.memory_space<vmem>>, vector<1x1x32768xf32>,
    return
  }
  func.func @transform_0(%arg0: i32) -> (i32, i32) {
    %c0_i32 = arith.constant 0 : i32
    %c0_i32_0 = arith.constant 0 : i32
    %c0_i32_1 = arith.constant 0 : i32
    return %c0_i32, %c0_i32_0 : i32, i32
  }
  func.func @transform_1(%arg0: i32) -> (i32, i32) {
    %add3A = arith.constant 23 : i32
    %add3A_0 = arith.addi %arg0, %add3A : i32
    %c0_i32 = arith.constant 0 : i32
    %c0_i32_1 = arith.constant 0 : i32
    return %c0_i32, %add3A_0 : i32, i32
  }
  func.func @transform_2(%arg0: i32) -> (i32, i32, i32) {
    %c0_i32 = arith.constant 0 : i32
    %c0_i32_0 = arith.constant 0 : i32
    %c0_i32_1 = arith.constant 0 : i32
    return %arg0, %c0_i32, %c0_i32_0 : i32, i32, i32
  }
}

</mosaic_0001>

<sc_bundles>
// kernel: kernel.10.cloned.1.call-start
scs
__scs_entry_jumppad:
0x0: {  	(pc) =	sbr.rel $0x88, $3  }
0x1: {  	(tag) =	ssettag $0x0;
	lr =	simm.s32 $0x1  }
0x2: {  	[smem:$0x3F9F] =	sst lr;
	_ =	strace $0xD0000000  }
0x3: {  	_ = 	snop  }
0x4: {  	_ = 	snop  }
0x5: {  	_ = 	snop  }
0x6: {  	_ = 	snop  }
0x7: {  	_ = 	snop  }
__scs_overlays_trampoline_lowered:
0x8: {  	[smem:$0x3FAE] =	sst s0  }
0x9: {  	[smem:$0x3FAF] =	sst s1  }
0xa: {  	[smem:$0x3FB0] =	sst s2  }
0xb: {  	[smem:$0x3FB1] =	sst s3  }
0xc: {  	[smem:$0x3FB2] =	sst s4  }
0xd: {  	[smem:$0x3FB3] =	sst s5  }
0xe: {  	[smem:$0x3FB4] =	sst s6  }
0xf: {  	[smem:$0x3FB5] =	sst s7  }
0x10: {  	[smem:$0x3FB6] =	sst s8  }
0x11: {  	[smem:$0x3FB7] =	sst s9;
	s0 =	simm.s32 @!p0 $0x0  }
0x12: {  	s1 =	sld [smem:$0x3F9D];
	s0 =	simm.s32 @p0 $0x1  }
0x13: {  	[smem:$0x3FB8] =	sst s0;
	s0 =	simm.s32 @!p1 $0x0  }
0x14: {  	s2 =	sld [smem:$0x3F9C];
	s0 =	simm.s32 @p1 $0x1  }
0x15: {  	[smem:$0x3FB9] =	sst s0;
	s0 =	simm.s32 @!p2 $0x0  }
0x16: {  	s3 =	sld [smem:$0x3FDB];
	s0 =	simm.s32 @p2 $0x1  }
0x17: {  	s4 =	simm.s32 $0x1BF5;
	[smem:$0x3FBB] =	sst s0  }
0x18: {  	s0 =	sld [smem:$0x3F9E];
	_ =	swait.ge [sflag:s4], $0x0  }
0x19: {  	s7 =	sld [smem:$0x3F9F]  }
0x1a: {  	s8 =	sadd.s32 $0xFFFFE003, lr  }
0x1b: {  	s9 =	sadd.s32 $0xFFFFFEF7, lr;
	s5 =	simm.s32 $0xFFFFFFFF;
	p2 =	slt.u32 s8, $0xFFFFF086  }
0x1c: {  	p1 =	slt.u32 s9, $0xF7A;
	s5 =	simm.s32 @!p2 $0x0  }
0x1d: {  	s5 =	simm.s32 @p1 $0x1;
	p0 =	seq.s32 s7, s2  }
0x1e: {  	s7 =	smul.u32 @!p0 $0xF7A, s2;
	p2 =	seq.s32 @!p0 s5, $0x0  }
0x1f: {  	s9 =	smul.u32 $0xF7A, s1;
	s8 =	simm.s32 @!p0 $0x1BF5;
	p2 =	por !p2, p0  }
0x20: {  	[sflag:s8] =	ssyncset.s32 @!p0 $0xFFFFF086;
	s6 =	sadd.s32 @!p0 s3, s7;
	s7 =	simm.s32 @!p0 $0x108  }
0x21: {  	s3 =	sadd.s32 s3, s9;
	s6 =	sadd.s32 @!p0 $0x88, s6;
	s7 =	simm.s32 @p2 $0x1082  }
0x22: {  	[simem:s7], [sflag:s8] =	dma.local @!p0 [hbm:s6], $0xF7A  }
0x23: {  	s9 =	sor.u32 $0xD0000000, s2;
	s6 =	simm.s32 $0x108;
	_ =	swait.ge @!p0 [sflag:s8], $0x0  }
0x24: {  	s3 =	sadd.s32 $0x88, s3;
	s6 =	simm.s32 @!p1 $0x1082;
	[sflag:s4] =	ssyncset.s32 $0xFFFFF086  }
0x25: {  	[simem:s6], [sflag:s4] =	dma.local [hbm:s3], $0xF7A  }
0x26: {  	[smem:$0x3F9F] =	sst s1;
	(tag) =	ssettag s2;
	_ =	strace s9  }
0x27: {  	s1 =	sld [smem:$0x3FAF]  }
0x28: {  	s2 =	sld [smem:$0x3FB0]  }
0x29: {  	s4 =	sld [smem:$0x3FB2]  }
0x2a: {  	p0 =	seq.s32 s5, $0x0;
	s5 =	sld [smem:$0x3FB3]  }
0x2b: {  	s6 =	sld [smem:$0x3FB4]  }
0x2c: {  	s7 =	sld [smem:$0x3FB5]  }
0x2d: {  	s3 =	simm.s32 $0x108;
	s8 =	sld [smem:$0x3FB6]  }
0x2e: {  	s3 =	simm.s32 @!p0 $0x1082;
	s9 =	sld [smem:$0x3FB7]  }
0x2f: {  	lr =	sadd.s32 s0, s3;
	s0 =	sld [smem:$0x3FAE]  }
0x30: {  	s3 =	sld [smem:$0x3FB1]  }
0x31: {  	[smem:$0x3FBA] =	sst s10  }
0x32: {  	s10 =	sld [smem:$0x3FB8];
	_ =	sdelay $0x3  }
0x33: {  	p0 =	seq.s32 s10, $0x1;
	s10 =	sld [smem:$0x3FBA];
	_ =	sdelay $0x3  }
0x34: {  	[smem:$0x3FBA] =	sst s10  }
0x35: {  	s10 =	sld [smem:$0x3FB9];
	_ =	sdelay $0x3  }
0x36: {  	p1 =	seq.s32 s10, $0x1;
	s10 =	sld [smem:$0x3FBA];
	_ =	sdelay $0x3  }
0x37: {  	[smem:$0x3FBA] =	sst s10  }
0x38: {  	s10 =	sld [smem:$0x3FBB]  }
0x39: {  	_ = 	snop;
	(pc) =	sbr.ind lr, $3  }
0x3a: {  	_ = 	snop  }
0x3b: {  	_ = 	snop  }
0x3c: {  	p2 =	seq.s32 s10, $0x1;
	s10 =	sld [smem:$0x3FBA]  }
0x3d: {  	_ =	shalt  }
0x3e: {  	_ =	shalt  }
0x3f: {  	_ =	shalt  }
0x40: {  	_ =	shalt  }
0x41: {  	_ =	shalt  }
0x42: {  	_ =	shalt  }
0x43: {  	_ =	shalt  }
0x44: {  	_ =	shalt  }
0x45: {  	_ =	shalt  }
0x46: {  	_ =	shalt  }
0x47: {  	_ =	shalt  }
0x48: {  	_ =	shalt  }
0x49: {  	_ =	shalt  }
0x4a: {  	_ =	shalt  }
0x4b: {  	_ =	shalt  }
0x4c: {  	_ =	shalt  }
0x4d: {  	_ =	shalt  }
0x4e: {  	_ =	shalt  }
0x4f: {  	_ =	shalt  }
0x50: {  	_ =	shalt  }
0x51: {  	_ =	shalt  }
0x52: {  	_ =	shalt  }
0x53: {  	_ =	shalt  }
0x54: {  	_ =	shalt  }
0x55: {  	_ =	shalt  }
0x56: {  	_ =	shalt  }
0x57: {  	_ =	shalt  }
0x58: {  	_ =	shalt  }
0x59: {  	_ =	shalt  }
0x5a: {  	_ =	shalt  }
0x5b: {  	_ =	shalt  }
0x5c: {  	_ =	shalt  }
0x5d: {  	_ =	shalt  }
0x5e: {  	_ =	shalt  }
0x5f: {  	_ =	shalt  }
0x60: {  	_ =	shalt  }
0x61: {  	_ =	shalt  }
0x62: {  	_ =	shalt  }
0x63: {  	_ =	shalt  }
0x64: {  	_ =	shalt  }
0x65: {  	_ =	shalt  }
0x66: {  	_ =	shalt  }
0x67: {  	_ =	shalt  }
0x68: {  	_ =	shalt  }
0x69: {  	_ =	shalt  }
0x6a: {  	_ =	shalt  }
0x6b: {  	_ =	shalt  }
0x6c: {  	_ =	shalt  }
0x6d: {  	_ =	shalt  }
0x6e: {  	_ =	shalt  }
0x6f: {  	_ =	shalt  }
0x70: {  	_ =	shalt  }
0x71: {  	_ =	shalt  }
0x72: {  	_ =	shalt  }
0x73: {  	_ =	shalt  }
0x74: {  	_ =	shalt  }
0x75: {  	_ =	shalt  }
0x76: {  	_ =	shalt  }
0x77: {  	_ =	shalt  }
0x78: {  	_ =	shalt  }
0x79: {  	_ =	shalt  }
0x7a: {  	_ =	shalt  }
0x7b: {  	_ =	shalt  }
0x7c: {  	_ =	shalt  }
0x7d: {  	_ =	shalt  }
0x7e: {  	_ =	shalt  }
0x7f: {  	_ =	shalt  }
0x80: {  	_ =	shalt  }
0x81: {  	_ =	shalt  }
0x82: {  	_ =	shalt  }
0x83: {  	_ =	shalt  }
0x84: {  	_ =	shalt  }
0x85: {  	_ =	shalt  }
0x86: {  	_ =	shalt  }
0x87: {  	_ =	shalt  }
.Lfunc_end0:
.L_simem_size_0:
called_computation.1_lowered:
.L_overlay_start_0:
0x88: {  	s2 =	sld [smem:$0x3FD9]  }
0x89: {  	s3 =	sld [smem:$0x3FFE];
	_ =	sdelay $0x1  }
0x8a: {  	s1 =	srdreg.scid  }
0x8b: {  	s0 =	sand.u32 $0x1, s1  }
0x8c: {  	s16 =	sshll.u32 s0, $0xA;
	s2 =	sadd.s32 s3, s2  }
0x8d: {  	s2 =	sadd.s32 s2, s16  }
0x8e: {  	[smem:$0x3FC6] =	sst s2  }
0x8f: {  	_ = 	snop  }
0x90: {  	(tm) =	ssettm $0x1  }
0x91: {  	s17 =	sld [smem:$0x3FFB];
	_ =	sdelay $0x3  }
0x92: {  	_ =	strace s17  }
0x93: {  	s2 =	sld [smem:$0x3FFC];
	_ =	sdelay $0x3  }
0x94: {  	_ =	strace s2  }
0x95: {  	s2 =	sld [smem:$0x3FFD];
	_ =	sdelay $0x3  }
0x96: {  	_ =	strace s2  }
0x97: {  	_ =	strace $0x8FFFFFFF  }
0x98: {  	s18 =	sld [smem:$0x3FDB];
	_ =	sdelay $0x1  }
0x99: {  	s19 =	simm.s32 $_scs_section_size  }
0x9a: {  	s4 =	simm.s32 $_size__tile_overlayer_lowered;
	s5 =	simm.s32 $_tile_overlayer_lowered  }
0x9b: {  	s22 =	simm.s32 $0x1BFF;
	s21 =	sshll.u32 s5, $0x1;
	s2 =	sadd.s32 s19, s18  }
0x9c: {  	s6 =	simm.s32 $0x0;
	s20 =	sshll.u32 s4, $0x1;
	s4 =	sadd.s32 s21, s2  }
0x9d: {  	[timem:s6], [sflag:s22] =	dma.local [hbm:s4], s20  }
0x9e: {  	_ =	swait.ge [sflag:s22], s20  }
0x9f: {  	s3 =	ssub.s32 $0x0, s20;
	[sflag:s22] =	ssyncset.done $0x0  }
0xa0: {  	[sflag:s22] =	ssyncadd.s32 s3;
	_ =	sdelay $0x1  }
0xa1: {  	s23 =	simm.s32 $0x1B8B  }
0xa2: {  	_ =	swait.ge [sflag:s23], $0x1  }
0xa3: {  	[sflag:s23] =	ssyncset.done $0x0  }
0xa4: {  	s25 =	simm.s32 $0x1B8E;
	s24 =	sld [smem:$0x3FFE];
	[sflag:s23] =	ssyncadd.s32 $0xFFFFFFFF  }
0xa5: {  	s26 =	simm.s32 $execute0_lowered;
	[smem:$0x3FD2] =	sst s25  }
0xa6: {  	s4 =	sshll.u32 s26, $0x1;
	_ =	strace $0x80000046;
	[dreg:$0x1] =	wrdreg $0xFFFFFFFF  }
0xa7: {  	s28 =	simm.s32 $_size_execute0_lowered;
	s2 =	sadd.s32 s2, s4;
	[dreg:$0x0] =	wrdreg $0x0  }
0xa8: {  	s4 =	sshll.u32 s28, $0x1;
	[dreg:$0x2] =	wrdreg s2  }
0xa9: {  	[dreg:$0x3] =	wrdreg s4  }
0xaa: {  	[dreg:$0x4] =	wrdreg $0xC0  }
0xab: {  	_ =	task [dreg:s6], $0x5FFFF  }
0xac: {  	[dreg:$0x1] =	wrdreg $0xFFFFFFFF  }
0xad: {  	[dreg:$0x0] =	wrdreg $0x60  }
0xae: {  	[dreg:$0x2] =	wrdreg s24  }
0xaf: {  	[dreg:$0x3] =	wrdreg $0xA  }
0xb0: {  	_ =	task.clear_ibuf [dreg:s6], $0x4FFFF;
	_ =	strace $0x90000046  }
0xb1: {  	s29 =	simm.s32 $0xA;
	_ =	strace $0x80000048  }
0xb2: {  	_ =	swait.ge [sflag:s29], $0x1  }
0xb3: {  	[sflag:s29] =	ssyncadd.s32 $0xFFFFFFFF  }
0xb4: {  	_ =	strace $0x90000048  }
0xb5: {  	_ =	sfence  }
0xb6: {  	s30 =	sld [smem:$0x0];
	_ =	sdelay $0x2  }
0xb7: {  	s31 =	sshll.u32 s1, $0xD;
	s1 =	sshrl.u32 s1, $0x2  }
0xb8: {  	s3 =	sand.u32 $0x4000, s31;
	s1 =	sadd.s32 s1, s30  }
0xb9: {  	s0 =	sor.u32 s3, s0;
	s1 =	sshll.u32 s1, $0x11  }
0xba: {  	s0 =	sor.u32 s1, s0  }
0xbb: {  	s0 =	sadd.s32 $0x8F2B, s0  }
0xbc: {  	[sflag:s0] =	ssyncadd.remote.s32 $0x1  }
0xbd: {  	_ =	sfence.sel $0xFFFF  }
0xbe: {  	[dreg:$0x0] =	wrdreg $0xFFFFFFFF;
	(pc) =	sbr.abs _section_cstart, $3  }
0xbf: {  	[dreg:$0x1] =	wrdreg $0xFFFFFFFF  }
0xc0: {  	_ =	task.clear_ibuf [dreg:s6], $0x2FFFF;
	_ =	strace $0x9FFFFFFF  }
0xc1: {  	(tm) =	ssettm $0x7FFFFFFF  }
tec
execute0_lowered:
.L_overlay_start_1:
0x0: {  	(tag) =	ssettag $0x1  }
0x1: {  	s3 =	rddreg [dreg:$0x0]  }
0x2: {  	s0 =	rddreg [dreg:$0x1]  }
0x3: {  	s2 =	simm.s32 $0x0;
	s4 =	srdreg.scid;
	s1 =	stileid.u32  }
0x4: {  	s9 =	simm.s32 $0x2000;
	s10 =	simm.s32 $0x2080;
	s11 =	simm.s32 $0x0  }
0x5: {  	[smem:$0x7FF] =	sst s2;
	s4 =	sand.u32 $0x1, s4;
	s5 =	sshll.u32 s1, $0x1  }
0x6: {  	s30 =	sshll.u32 s1, $0xE;
	_ =	strace $0x80000047;
	s5 =	sor.u32 s4, s5  }
0x7: {  	s6 =	ssub.s32 $0x2, s4;
	s31 =	sshll.u32 s4, $0xD;
	s7 =	sshll.u32 s5, $0xA  }
0x8: {  	v0 =	vlaneseq.u32;
	s5 =	sshll.u32 s5, $0x4;
	s8 =	sshrl.u32 s6, $0x1;
	s7 =	sadd.s32 s7, s3  }
0x9: {  	v1 =	vmul.u32 $0xFFFFFFFF, v0;
	s5 =	sadd.s32 s5, s3;
	s6 =	ssub.s32 s6, s8;
	s8 =	simm.s32 $0x1  }
0xa: {  	s3 =	sadd.s32 $0x1800, s7;
	s4 =	sadd.s32 $0x9800, s5;
	s7 =	sor.u32 s31, s30  }
0xb: {  	v1 =	vadd.s32 $0xF, v1;
	s5 =	sadd.s32 $0x9A00, s5;
	s6 =	smax.u32 s6, $0x1;
	s7 =	sadd.s32 $0xB8000, s7  }
.LBB2_1:
0xc: {  	[tilespmem:s2], [sflag:$0x1] =	stream.linear.gather [hbm4b:s3+s2], $0x2000, $0x38;
	[tilespmem:$0x2100] =	vst v63  }
0xd: {  	_ =	swait.ge [sflag:s8], $0x2000  }
0xe: {  	[sflag:s8] =	ssyncset.done $0x0  }
0xf: {  	s12 =	simm.s32 $0x0;
	[sflag:s8] =	ssyncadd.s32 $0xFFFFE000  }
0x10: {  	v2 =	vld [tilespmem:s12+$0x0];
	_ =	sdelay $0x3  }
0x11: {  	v3 =	vor.u32 s7, v0  }
0x12: {  	(xrf1) =	vsort.ascd.msk.f32 $0xffff, v2, v3;
	_ =	sdelay $0xa  }
0x13: {  	s31 =	simm.s32 $0x10  }
0x14: {  	v2 =	vld [tilespmem:s31+$0x0];
	_ =	sdelay $0x1  }
0x15: {  	v3, v4, _ =	vpop (xrf1)  }
0x16: {  	s12 =	sadd.s32 $0x10, s7;
	v3 =	vperm.xlane v3, v1  }
0x17: {  	v5 =	vimm.f32 $-Inf;
	v7 =	vor.u32 s12, v0;
	v4 =	vperm.xlane v4, v1  }
0x18: {  	v6 =	vimm.s32 $0x0;
	(xrf1) =	vsort.ascd.msk.f32 $0xffff, v2, v7;
	vm0 =	vge.f32 v5, v3  }
0x19: {  	v2 =	vsel vm0, v5, v3;
	v3 =	vsel vm0, v6, v4  }
0x1a: {  	(xrf1) =	vsort.ascd.msk.f32 $0xffff, v2, v3;
	_ =	sdelay $0x8  }
0x1b: {  	s14 =	simm.s32 $0x20;
	s13 =	simm.s32 $0xC0  }
.LBB2_2:
0x1c: {  	p0 =	sne.s32 s13, $0x7FC0;
	v2 =	vld [tilespmem:s14+$0x0];
	_ =	sdelay $0x1  }
0x1d: {  	v3, v4, _ =	vpop (xrf1)  }
0x1e: {  	s12 =	sadd.s32 $0x10, s12;
	v3 =	vperm.xlane v3, v1  }
0x1f: {  	v5 =	vor.u32 s12, v0;
	v4 =	vperm.xlane v4, v1;
	v6, v7, _ =	vpop (xrf1)  }
0x20: {  	(xrf1) =	vsort.ascd.msk.f32 $0xffff, v2, v5;
	vm0 =	vge.f32 v6, v3  }
0x21: {  	v2 =	vsel vm0, v6, v3;
	v3 =	vsel vm0, v7, v4  }
0x22: {  	(xrf1) =	vsort.ascd.msk.f32 $0xffff, v2, v3;
	_ =	sdelay $0x4  }
.Ltmp0:
0x23: {  	(pc) =	sbr.rel @p0 .LBB2_2-.Ltmp0, $2  }
0x24: {  	_ =	sdelay $0x2  }
0x25: {  	s14 =	sshra.s32 s13, $0x2;
	s13 =	sadd.s32 $0x40, s13  }
0x26: {  	v2 =	vld [tilespmem:s14+$0x0];
	_ =	sdelay $0x1  }
0x27: {  	v3, v4, _ =	vpop (xrf1)  }
0x28: {  	s12 =	sadd.s32 $0x10, s12;
	v3 =	vperm.xlane v3, v1  }
0x29: {  	v5 =	vor.u32 s12, v0;
	v4 =	vperm.xlane v4, v1;
	v6, v7, _ =	vpop (xrf1)  }
0x2a: {  	(xrf1) =	vsort.ascd.msk.f32 $0xffff, v2, v5;
	vm0 =	vge.f32 v6, v3  }
0x2b: {  	v2 =	vsel vm0, v6, v3;
	v3 =	vsel vm0, v7, v4  }
0x2c: {  	(xrf1) =	vsort.ascd.msk.f32 $0xffff, v2, v3;
	_ =	sdelay $0xb  }
0x2d: {  	v2, v3, _ =	vpop (xrf1)  }
0x2e: {  	v2 =	vperm.xlane v2, v1  }
0x2f: {  	v3 =	vperm.xlane v3, v1;
	v63, v62, _ =	vpop (xrf1)  }
0x30: {  	vm15 =	vge.f32 v63, v2  }
0x31: {  	v2 =	vsel vm15, v63, v2;
	v3 =	vsel vm15, v62, v3  }
0x32: {  	(xrf1) =	vsort.ascd.msk.f32 $0xffff, v2, v3;
	_ =	sdelay $0xd  }
0x33: {  	v2, v3, _ =	vpop (xrf1)  }
0x34: {  	[tilespmem:$0x2000] =	vst v2  }
0x35: {  	[tilespmem:$0x2080] =	vst v3  }
0x36: {  	[hbm4b:s4+s2] =	stream.linear.scatter [tilespmem:s9], [sflag:$0x1], $0x80, $0x38;
	[tilespmem:$0x2100] =	vst v63  }
0x37: {  	s11 =	sadd.s32 $0x1, s11;
	_ =	swait.ge [sflag:s8], $0x80  }
0x38: {  	p0 =	sne.s32 s11, s6;
	[sflag:s8] =	ssyncset.done $0x0  }
.Ltmp1:
0x39: {  	[sflag:s8] =	ssyncadd.s32 $0xFFFFFF80;
	(pc) =	sbr.rel @p0 .LBB2_1-.Ltmp1, $4  }
0x3a: {  	[hbm4b:s5+s2] =	stream.linear.scatter [tilespmem:s10], [sflag:$0x1], $0x80, $0x38;
	[tilespmem:$0x2100] =	vst v63  }
0x3b: {  	_ =	swait.ge [sflag:s8], $0x80  }
0x3c: {  	[sflag:s8] =	ssyncset.done $0x0  }
0x3d: {  	[sflag:s8] =	ssyncadd.s32 $0xFFFFFF80  }
0x3e: {  	_ =	sfence.sel $0x180000  }
0x3f: {  	[bflag:$0x0] =	sbarrier.arrive $0xFFFF  }
0x40: {  	p0 =	sne.s32 s1, $0x0;
	_ =	strace $0x90000047  }
0x41: {  	s0 =	sadd.s32 @!p0 $0x100000, s0;
	[bflag:$0x2] =	sbarrier.arrive $0xFFFF  }
0x42: {  	[sflag:s0] =	ssyncadd.tile.s32 @!p0 $0x1;
	_ =	shalt  }
.Lfunc_end2:
_tile_overlayer_lowered:
.L_overlay_start_2:
0x43: {  	(tag) =	ssettag $0x2  }
0x44: {  	s0 =	rddreg [dreg:$0x0];
	s2 =	stileid.u32  }
0x45: {  	s1 =	rddreg [dreg:$0x1];
	p0 =	sne.s32 s2, $0x0  }
0x46: {  	s3 =	rddreg [dreg:$0x2];
	[bflag:$0x3] =	sbarrier.arrive $0xFFFF;
	s2 =	simm.s32 @!p0 $0x1C01  }
0x47: {  	[timem:s3], [sflag:s2] =	dma.local @!p0 [hbm:s0], s1  }
0x48: {  	s0 =	simm.s32 @!p0 $0x1  }
0x49: {  	_ =	swait.ge @!p0 [sflag:s0], s1  }
0x4a: {  	s1 =	ssub.s32 @!p0 $0x0, s1;
	[sflag:s0] =	ssyncset.done @!p0 $0x0  }
0x4b: {  	[sflag:s0] =	ssyncadd.s32 @!p0 s1  }
0x4c: {  	[bflag:$0x3] =	sbarrier.arrive $0xFFFF  }
0x4d: {  	_ =	shalt  }

// kernel: kernel.13.cloned.1.call-start
scs
__scs_entry_jumppad:
0x0: {  	(pc) =	sbr.rel $0x88, $3  }
0x1: {  	(tag) =	ssettag $0x0;
	lr =	simm.s32 $0x1  }
0x2: {  	[smem:$0x3F9F] =	sst lr;
	_ =	strace $0xD0000000  }
0x3: {  	_ = 	snop  }
0x4: {  	_ = 	snop  }
0x5: {  	_ = 	snop  }
0x6: {  	_ = 	snop  }
0x7: {  	_ = 	snop  }
__scs_overlays_trampoline_lowered:
0x8: {  	[smem:$0x3FAE] =	sst s0  }
0x9: {  	[smem:$0x3FAF] =	sst s1  }
0xa: {  	[smem:$0x3FB0] =	sst s2  }
0xb: {  	[smem:$0x3FB1] =	sst s3  }
0xc: {  	[smem:$0x3FB2] =	sst s4  }
0xd: {  	[smem:$0x3FB3] =	sst s5  }
0xe: {  	[smem:$0x3FB4] =	sst s6  }
0xf: {  	[smem:$0x3FB5] =	sst s7  }
0x10: {  	[smem:$0x3FB6] =	sst s8  }
0x11: {  	[smem:$0x3FB7] =	sst s9;
	s0 =	simm.s32 @!p0 $0x0  }
0x12: {  	s1 =	sld [smem:$0x3F9D];
	s0 =	simm.s32 @p0 $0x1  }
0x13: {  	[smem:$0x3FB8] =	sst s0;
	s0 =	simm.s32 @!p1 $0x0  }
0x14: {  	s2 =	sld [smem:$0x3F9C];
	s0 =	simm.s32 @p1 $0x1  }
0x15: {  	[smem:$0x3FB9] =	sst s0;
	s0 =	simm.s32 @!p2 $0x0  }
0x16: {  	s3 =	sld [smem:$0x3FDB];
	s0 =	simm.s32 @p2 $0x1  }
0x17: {  	s4 =	simm.s32 $0x1BF5;
	[smem:$0x3FBB] =	sst s0  }
0x18: {  	s0 =	sld [smem:$0x3F9E];
	_ =	swait.ge [sflag:s4], $0x0  }
0x19: {  	s7 =	sld [smem:$0x3F9F]  }
0x1a: {  	s8 =	sadd.s32 $0xFFFFE003, lr  }
0x1b: {  	s9 =	sadd.s32 $0xFFFFFEF7, lr;
	s5 =	simm.s32 $0xFFFFFFFF;
	p2 =	slt.u32 s8, $0xFFFFF086  }
0x1c: {  	p1 =	slt.u32 s9, $0xF7A;
	s5 =	simm.s32 @!p2 $0x0  }
0x1d: {  	s5 =	simm.s32 @p1 $0x1;
	p0 =	seq.s32 s7, s2  }
0x1e: {  	s7 =	smul.u32 @!p0 $0xF7A, s2;
	p2 =	seq.s32 @!p0 s5, $0x0  }
0x1f: {  	s9 =	smul.u32 $0xF7A, s1;
	s8 =	simm.s32 @!p0 $0x1BF5;
	p2 =	por !p2, p0  }
0x20: {  	[sflag:s8] =	ssyncset.s32 @!p0 $0xFFFFF086;
	s6 =	sadd.s32 @!p0 s3, s7;
	s7 =	simm.s32 @!p0 $0x108  }
0x21: {  	s3 =	sadd.s32 s3, s9;
	s6 =	sadd.s32 @!p0 $0x88, s6;
	s7 =	simm.s32 @p2 $0x1082  }
0x22: {  	[simem:s7], [sflag:s8] =	dma.local @!p0 [hbm:s6], $0xF7A  }
0x23: {  	s9 =	sor.u32 $0xD0000000, s2;
	s6 =	simm.s32 $0x108;
	_ =	swait.ge @!p0 [sflag:s8], $0x0  }
0x24: {  	s3 =	sadd.s32 $0x88, s3;
	s6 =	simm.s32 @!p1 $0x1082;
	[sflag:s4] =	ssyncset.s32 $0xFFFFF086  }
0x25: {  	[simem:s6], [sflag:s4] =	dma.local [hbm:s3], $0xF7A  }
0x26: {  	[smem:$0x3F9F] =	sst s1;
	(tag) =	ssettag s2;
	_ =	strace s9  }
0x27: {  	s1 =	sld [smem:$0x3FAF]  }
0x28: {  	s2 =	sld [smem:$0x3FB0]  }
0x29: {  	s4 =	sld [smem:$0x3FB2]  }
0x2a: {  	p0 =	seq.s32 s5, $0x0;
	s5 =	sld [smem:$0x3FB3]  }
0x2b: {  	s6 =	sld [smem:$0x3FB4]  }
0x2c: {  	s7 =	sld [smem:$0x3FB5]  }
0x2d: {  	s3 =	simm.s32 $0x108;
	s8 =	sld [smem:$0x3FB6]  }
0x2e: {  	s3 =	simm.s32 @!p0 $0x1082;
	s9 =	sld [smem:$0x3FB7]  }
0x2f: {  	lr =	sadd.s32 s0, s3;
	s0 =	sld [smem:$0x3FAE]  }
0x30: {  	s3 =	sld [smem:$0x3FB1]  }
0x31: {  	[smem:$0x3FBA] =	sst s10  }
0x32: {  	s10 =	sld [smem:$0x3FB8];
	_ =	sdelay $0x3  }
0x33: {  	p0 =	seq.s32 s10, $0x1;
	s10 =	sld [smem:$0x3FBA];
	_ =	sdelay $0x3  }
0x34: {  	[smem:$0x3FBA] =	sst s10  }
0x35: {  	s10 =	sld [smem:$0x3FB9];
	_ =	sdelay $0x3  }
0x36: {  	p1 =	seq.s32 s10, $0x1;
	s10 =	sld [smem:$0x3FBA];
	_ =	sdelay $0x3  }
0x37: {  	[smem:$0x3FBA] =	sst s10  }
0x38: {  	s10 =	sld [smem:$0x3FBB]  }
0x39: {  	_ = 	snop;
	(pc) =	sbr.ind lr, $3  }
0x3a: {  	_ = 	snop  }
0x3b: {  	_ = 	snop  }
0x3c: {  	p2 =	seq.s32 s10, $0x1;
	s10 =	sld [smem:$0x3FBA]  }
0x3d: {  	_ =	shalt  }
0x3e: {  	_ =	shalt  }
0x3f: {  	_ =	shalt  }
0x40: {  	_ =	shalt  }
0x41: {  	_ =	shalt  }
0x42: {  	_ =	shalt  }
0x43: {  	_ =	shalt  }
0x44: {  	_ =	shalt  }
0x45: {  	_ =	shalt  }
0x46: {  	_ =	shalt  }
0x47: {  	_ =	shalt  }
0x48: {  	_ =	shalt  }
0x49: {  	_ =	shalt  }
0x4a: {  	_ =	shalt  }
0x4b: {  	_ =	shalt  }
0x4c: {  	_ =	shalt  }
0x4d: {  	_ =	shalt  }
0x4e: {  	_ =	shalt  }
0x4f: {  	_ =	shalt  }
0x50: {  	_ =	shalt  }
0x51: {  	_ =	shalt  }
0x52: {  	_ =	shalt  }
0x53: {  	_ =	shalt  }
0x54: {  	_ =	shalt  }
0x55: {  	_ =	shalt  }
0x56: {  	_ =	shalt  }
0x57: {  	_ =	shalt  }
0x58: {  	_ =	shalt  }
0x59: {  	_ =	shalt  }
0x5a: {  	_ =	shalt  }
0x5b: {  	_ =	shalt  }
0x5c: {  	_ =	shalt  }
0x5d: {  	_ =	shalt  }
0x5e: {  	_ =	shalt  }
0x5f: {  	_ =	shalt  }
0x60: {  	_ =	shalt  }
0x61: {  	_ =	shalt  }
0x62: {  	_ =	shalt  }
0x63: {  	_ =	shalt  }
0x64: {  	_ =	shalt  }
0x65: {  	_ =	shalt  }
0x66: {  	_ =	shalt  }
0x67: {  	_ =	shalt  }
0x68: {  	_ =	shalt  }
0x69: {  	_ =	shalt  }
0x6a: {  	_ =	shalt  }
0x6b: {  	_ =	shalt  }
0x6c: {  	_ =	shalt  }
0x6d: {  	_ =	shalt  }
0x6e: {  	_ =	shalt  }
0x6f: {  	_ =	shalt  }
0x70: {  	_ =	shalt  }
0x71: {  	_ =	shalt  }
0x72: {  	_ =	shalt  }
0x73: {  	_ =	shalt  }
0x74: {  	_ =	shalt  }
0x75: {  	_ =	shalt  }
0x76: {  	_ =	shalt  }
0x77: {  	_ =	shalt  }
0x78: {  	_ =	shalt  }
0x79: {  	_ =	shalt  }
0x7a: {  	_ =	shalt  }
0x7b: {  	_ =	shalt  }
0x7c: {  	_ =	shalt  }
0x7d: {  	_ =	shalt  }
0x7e: {  	_ =	shalt  }
0x7f: {  	_ =	shalt  }
0x80: {  	_ =	shalt  }
0x81: {  	_ =	shalt  }
0x82: {  	_ =	shalt  }
0x83: {  	_ =	shalt  }
0x84: {  	_ =	shalt  }
0x85: {  	_ =	shalt  }
0x86: {  	_ =	shalt  }
0x87: {  	_ =	shalt  }
.Lfunc_end0:
.L_simem_size_0:
called_computation.2_lowered:
.L_overlay_start_0:
0x88: {  	s2 =	sld [smem:$0x3FD9]  }
0x89: {  	s3 =	sld [smem:$0x3FFE];
	_ =	sdelay $0x1  }
0x8a: {  	s1 =	srdreg.scid  }
0x8b: {  	s0 =	sand.u32 $0x1, s1  }
0x8c: {  	s17 =	sshll.u32 s0, $0xA;
	s2 =	sadd.s32 s3, s2  }
0x8d: {  	s2 =	sadd.s32 s2, s17  }
0x8e: {  	[smem:$0x3FC6] =	sst s2  }
0x8f: {  	_ = 	snop  }
0x90: {  	s2 =	sld [smem:$0x3FD0];
	(tm) =	ssettm $0x1  }
0x91: {  	s18 =	sld [smem:$0x3FFB];
	_ =	sdelay $0x3  }
0x92: {  	_ =	strace s18  }
0x93: {  	s3 =	sld [smem:$0x3FFC];
	_ =	sdelay $0x3  }
0x94: {  	_ =	strace s3  }
0x95: {  	s3 =	sld [smem:$0x3FFD];
	_ =	sdelay $0x3  }
0x96: {  	_ =	strace s3  }
0x97: {  	_ =	strace $0x8FFFFFFF  }
0x98: {  	s19 =	sld [smem:$0x3FDB];
	_ =	sdelay $0x1  }
0x99: {  	s4 =	simm.s32 $_scs_section_size  }
0x9a: {  	s5 =	simm.s32 $_size__tile_overlayer_lowered;
	s6 =	simm.s32 $_tile_overlayer_lowered  }
0x9b: {  	s22 =	simm.s32 $0x1BFF;
	s21 =	sshll.u32 s6, $0x1;
	s3 =	sadd.s32 s4, s19  }
0x9c: {  	s7 =	simm.s32 $0x0;
	s20 =	sshll.u32 s5, $0x1;
	s5 =	sadd.s32 s21, s3  }
0x9d: {  	[timem:s7], [sflag:s22] =	dma.local [hbm:s5], s20  }
0x9e: {  	_ =	swait.ge [sflag:s22], s20  }
0x9f: {  	s4 =	ssub.s32 $0x0, s20;
	[sflag:s22] =	ssyncset.done $0x0  }
0xa0: {  	[sflag:s22] =	ssyncadd.s32 s4;
	_ =	sdelay $0x1  }
0xa1: {  	s23 =	simm.s32 $0x1B8B  }
0xa2: {  	_ =	swait.ge [sflag:s23], $0x1  }
0xa3: {  	[sflag:s23] =	ssyncset.done $0x0  }
0xa4: {  	s25 =	simm.s32 $0x1B8E;
	s24 =	sld [smem:$0x3FFE];
	[sflag:s23] =	ssyncadd.s32 $0xFFFFFFFF  }
0xa5: {  	s26 =	simm.s32 $execute0_lowered;
	[smem:$0x3FD2] =	sst s25  }
0xa6: {  	s5 =	sshll.u32 s26, $0x1;
	_ =	strace $0x8000004C;
	[dreg:$0x1] =	wrdreg $0xFFFFFFFF  }
0xa7: {  	s28 =	simm.s32 $_size_execute0_lowered;
	s3 =	sadd.s32 s3, s5;
	[dreg:$0x0] =	wrdreg $0x0  }
0xa8: {  	s5 =	sshll.u32 s28, $0x1;
	[dreg:$0x2] =	wrdreg s3  }
0xa9: {  	[dreg:$0x3] =	wrdreg s5  }
0xaa: {  	[dreg:$0x4] =	wrdreg $0xC0  }
0xab: {  	_ =	task [dreg:s7], $0x5FFFF  }
0xac: {  	[dreg:$0x1] =	wrdreg $0xFFFFFFFF  }
0xad: {  	[dreg:$0x0] =	wrdreg $0x60  }
0xae: {  	[dreg:$0x2] =	wrdreg s24  }
0xaf: {  	[dreg:$0x3] =	wrdreg s2  }
0xb0: {  	[dreg:$0x4] =	wrdreg $0x9  }
0xb1: {  	_ =	task.clear_ibuf [dreg:s7], $0x5FFFF;
	_ =	strace $0x9000004C  }
0xb2: {  	s29 =	simm.s32 $0x9;
	_ =	strace $0x8000004E  }
0xb3: {  	_ =	swait.ge [sflag:s29], $0x1  }
0xb4: {  	[sflag:s29] =	ssyncadd.s32 $0xFFFFFFFF  }
0xb5: {  	_ =	strace $0x9000004E  }
0xb6: {  	_ =	sfence  }
0xb7: {  	s30 =	sld [smem:$0x0];
	_ =	sdelay $0x2  }
0xb8: {  	s31 =	sshll.u32 s1, $0xD;
	s1 =	sshrl.u32 s1, $0x2  }
0xb9: {  	s3 =	sand.u32 $0x4000, s31;
	s1 =	sadd.s32 s1, s30  }
0xba: {  	s0 =	sor.u32 s3, s0;
	s1 =	sshll.u32 s1, $0x11  }
0xbb: {  	s0 =	sor.u32 s1, s0  }
0xbc: {  	s0 =	sadd.s32 $0x8F2B, s0  }
0xbd: {  	[sflag:s0] =	ssyncadd.remote.s32 $0x1  }
0xbe: {  	_ =	sfence.sel $0xFFFF  }
0xbf: {  	[dreg:$0x0] =	wrdreg $0xFFFFFFFF;
	(pc) =	sbr.abs _section_cstart, $3  }
0xc0: {  	[dreg:$0x1] =	wrdreg $0xFFFFFFFF  }
0xc1: {  	_ =	task.clear_ibuf [dreg:s7], $0x2FFFF;
	_ =	strace $0x9FFFFFFF  }
0xc2: {  	(tm) =	ssettm $0x7FFFFFFF  }
0xc3: {  	_ =	shalt  }
tec
execute0_lowered:
.L_overlay_start_1:
0x0: {  	(tag) =	ssettag $0x1  }
0x1: {  	s0 =	srdreg.scid  }
0x2: {  	s3 =	sand.u32 $0x1, s0;
	s0 =	stileid.u32  }
0x3: {  	s5 =	sshll.u32 s0, $0x1;
	s6 =	ssub.s32 $0x0, s3  }
0x4: {  	p0 =	sne.s32 s5, s6  }
.Ltmp0:
0x5: {  	_ = 	snop;
	(pc) =	sbr.rel @p0 .LBB2_5-.Ltmp0, $4  }
0x6: {  	_ = 	snop  }
0x7: {  	s4 =	rddreg [dreg:$0x0]  }
0x8: {  	s2 =	rddreg [dreg:$0x1]  }
0x9: {  	s1 =	rddreg [dreg:$0x2];
	_ =	strace $0x8000004D  }
0xa: {  	s5 =	ssub.s32 $0x2, s3;
	v0 =	vlaneseq.u32;
	s3 =	sadd.s32 $0x1A00, s4  }
0xb: {  	s4 =	sadd.s32 $0x1800, s4;
	s7 =	simm.s32 $0x1;
	s6 =	sshrl.u32 s5, $0x1;
	v0 =	vmul.u32 $0xFFFFFFFF, v0  }
0xc: {  	s8 =	simm.s32 $0x400;
	s9 =	simm.s32 $0x800;
	s5 =	ssub.s32 s5, s6  }
0xd: {  	s10 =	simm.s32 $0x0;
	s6 =	simm.s32 $0x0;
	s5 =	smax.u32 s5, $0x1;
	v0 =	vadd.s32 $0xF, v0  }
.LBB2_2:
0xe: {  	[tilespmem:s6], [sflag:$0x1] =	stream.linear.gather [hbm4b:s3+s6], $0x400, $0x38;
	[tilespmem:$0x880] =	vst v63  }
0xf: {  	_ =	swait.ge [sflag:s7], $0x400  }
0x10: {  	[sflag:s7] =	ssyncset.done $0x0  }
0x11: {  	[sflag:s7] =	ssyncadd.s32 $0xFFFFFC00  }
0x12: {  	[tilespmem:s8], [sflag:$0x1] =	stream.linear.gather [hbm4b:s4+s6], $0x400, $0x38;
	[tilespmem:$0x880] =	vst v63  }
0x13: {  	_ =	swait.ge [sflag:s7], $0x400  }
0x14: {  	[sflag:s7] =	ssyncset.done $0x0  }
0x15: {  	s11 =	simm.s32 $0x0;
	[sflag:s7] =	ssyncadd.s32 $0xFFFFFC00  }
0x16: {  	v1 =	vld [tilespmem:s11+$0x0]  }
0x17: {  	v2 =	vld [tilespmem:s11+$0x400];
	_ =	sdelay $0x3  }
0x18: {  	v1 =	vperm.xlane v1, v0  }
0x19: {  	v3 =	vimm.f32 $-Inf;
	v2 =	vperm.xlane v2, v0  }
0x1a: {  	v4 =	vimm.s32 $0x0;
	vm0 =	vge.f32 v3, v1  }
0x1b: {  	v1 =	vsel vm0, v3, v1;
	v2 =	vsel vm0, v4, v2  }
0x1c: {  	(xrf1) =	vsort.ascd.msk.f32 $0xffff, v1, v2;
	_ =	sdelay $0x6  }
0x1d: {  	s12 =	simm.s32 $0x10;
	s11 =	simm.s32 $0x80  }
.LBB2_3:
0x1e: {  	p0 =	sne.s32 s11, $0xFC0;
	v1 =	vld [tilespmem:s12+$0x0]  }
0x1f: {  	v2 =	vld [tilespmem:s12+$0x400];
	_ =	sdelay $0x3  }
0x20: {  	v1 =	vperm.xlane v1, v0  }
0x21: {  	v2 =	vperm.xlane v2, v0;
	v3, v4, _ =	vpop (xrf1)  }
0x22: {  	vm0 =	vge.f32 v3, v1  }
0x23: {  	v1 =	vsel vm0, v3, v1;
	v2 =	vsel vm0, v4, v2  }
0x24: {  	(xrf1) =	vsort.ascd.msk.f32 $0xffff, v1, v2;
	_ =	sdelay $0x2  }
.Ltmp1:
0x25: {  	(pc) =	sbr.rel @p0 .LBB2_3-.Ltmp1, $2  }
0x26: {  	_ =	sdelay $0x2  }
0x27: {  	s12 =	sshra.s32 s11, $0x2;
	s11 =	sadd.s32 $0x40, s11  }
0x28: {  	v1 =	vld [tilespmem:s12+$0x0]  }
0x29: {  	v2 =	vld [tilespmem:s12+$0x400];
	_ =	sdelay $0x3  }
0x2a: {  	v1 =	vperm.xlane v1, v0  }
0x2b: {  	v2 =	vperm.xlane v2, v0;
	v3, v4, _ =	vpop (xrf1)  }
0x2c: {  	vm0 =	vge.f32 v3, v1  }
0x2d: {  	v1 =	vsel vm0, v3, v1;
	v2 =	vsel vm0, v4, v2  }
0x2e: {  	(xrf1) =	vsort.ascd.msk.f32 $0xffff, v1, v2;
	_ =	sdelay $0xd  }
0x2f: {  	v1, v2, _ =	vpop (xrf1)  }
0x30: {  	s10 =	sadd.s32 $0x1, s10;
	v1 =	vperm.xlane v2, v0  }
0x31: {  	p0 =	sne.s32 s10, s5  }
.Ltmp2:
0x32: {  	[tilespmem:$0x800] =	vst v1;
	(pc) =	sbr.rel @p0 .LBB2_2-.Ltmp2, $4  }
0x33: {  	[hbm4b:s2+s6] =	stream.linear.scatter [tilespmem:s9], [sflag:$0x1], $0x80, $0x38;
	[tilespmem:$0x880] =	vst v63  }
0x34: {  	_ =	swait.ge [sflag:s7], $0x80  }
0x35: {  	[sflag:s7] =	ssyncset.done $0x0  }
0x36: {  	[sflag:s7] =	ssyncadd.s32 $0xFFFFFF80  }
.LBB2_5:
0x37: {  	_ =	sfence.sel $0x180000  }
0x38: {  	[bflag:$0x0] =	sbarrier.arrive $0xFFFF  }
0x39: {  	p0 =	sne.s32 s0, $0x0;
	_ =	strace $0x9000004D  }
0x3a: {  	s0 =	sadd.s32 @!p0 $0x100000, s1;
	[bflag:$0x2] =	sbarrier.arrive $0xFFFF  }
0x3b: {  	[sflag:s0] =	ssyncadd.tile.s32 @!p0 $0x1;
	_ =	shalt  }
.Lfunc_end2:
_tile_overlayer_lowered:
.L_overlay_start_2:
0x3c: {  	(tag) =	ssettag $0x2  }
0x3d: {  	s0 =	rddreg [dreg:$0x0];
	s2 =	stileid.u32  }
0x3e: {  	s1 =	rddreg [dreg:$0x1];
	p0 =	sne.s32 s2, $0x0  }
0x3f: {  	s3 =	rddreg [dreg:$0x2];
	[bflag:$0x3] =	sbarrier.arrive $0xFFFF;
	s2 =	simm.s32 @!p0 $0x1C01  }
0x40: {  	[timem:s3], [sflag:s2] =	dma.local @!p0 [hbm:s0], s1  }
0x41: {  	s0 =	simm.s32 @!p0 $0x1  }
0x42: {  	_ =	swait.ge @!p0 [sflag:s0], s1  }
0x43: {  	s1 =	ssub.s32 @!p0 $0x0, s1;
	[sflag:s0] =	ssyncset.done @!p0 $0x0  }
0x44: {  	[sflag:s0] =	ssyncadd.s32 @!p0 s1  }
0x45: {  	[bflag:$0x3] =	sbarrier.arrive $0xFFFF  }
0x46: {  	_ =	shalt  }

// kernel: kernel.7.cloned.1.call-start
scs
__scs_entry_jumppad:
0x0: {  	(pc) =	sbr.rel $0x88, $3  }
0x1: {  	(tag) =	ssettag $0x0;
	lr =	simm.s32 $0x1  }
0x2: {  	[smem:$0x3F9F] =	sst lr;
	_ =	strace $0xD0000000  }
0x3: {  	_ = 	snop  }
0x4: {  	_ = 	snop  }
0x5: {  	_ = 	snop  }
0x6: {  	_ = 	snop  }
0x7: {  	_ = 	snop  }
__scs_overlays_trampoline_lowered:
0x8: {  	[smem:$0x3FAE] =	sst s0  }
0x9: {  	[smem:$0x3FAF] =	sst s1  }
0xa: {  	[smem:$0x3FB0] =	sst s2  }
0xb: {  	[smem:$0x3FB1] =	sst s3  }
0xc: {  	[smem:$0x3FB2] =	sst s4  }
0xd: {  	[smem:$0x3FB3] =	sst s5  }
0xe: {  	[smem:$0x3FB4] =	sst s6  }
0xf: {  	[smem:$0x3FB5] =	sst s7  }
0x10: {  	[smem:$0x3FB6] =	sst s8  }
0x11: {  	[smem:$0x3FB7] =	sst s9;
	s0 =	simm.s32 @!p0 $0x0  }
0x12: {  	s1 =	sld [smem:$0x3F9D];
	s0 =	simm.s32 @p0 $0x1  }
0x13: {  	[smem:$0x3FB8] =	sst s0;
	s0 =	simm.s32 @!p1 $0x0  }
0x14: {  	s2 =	sld [smem:$0x3F9C];
	s0 =	simm.s32 @p1 $0x1  }
0x15: {  	[smem:$0x3FB9] =	sst s0;
	s0 =	simm.s32 @!p2 $0x0  }
0x16: {  	s3 =	sld [smem:$0x3FDB];
	s0 =	simm.s32 @p2 $0x1  }
0x17: {  	s4 =	simm.s32 $0x1BF5;
	[smem:$0x3FBB] =	sst s0  }
0x18: {  	s0 =	sld [smem:$0x3F9E];
	_ =	swait.ge [sflag:s4], $0x0  }
0x19: {  	s7 =	sld [smem:$0x3F9F]  }
0x1a: {  	s8 =	sadd.s32 $0xFFFFE003, lr  }
0x1b: {  	s9 =	sadd.s32 $0xFFFFFEF7, lr;
	s5 =	simm.s32 $0xFFFFFFFF;
	p2 =	slt.u32 s8, $0xFFFFF086  }
0x1c: {  	p1 =	slt.u32 s9, $0xF7A;
	s5 =	simm.s32 @!p2 $0x0  }
0x1d: {  	s5 =	simm.s32 @p1 $0x1;
	p0 =	seq.s32 s7, s2  }
0x1e: {  	s7 =	smul.u32 @!p0 $0xF7A, s2;
	p2 =	seq.s32 @!p0 s5, $0x0  }
0x1f: {  	s9 =	smul.u32 $0xF7A, s1;
	s8 =	simm.s32 @!p0 $0x1BF5;
	p2 =	por !p2, p0  }
0x20: {  	[sflag:s8] =	ssyncset.s32 @!p0 $0xFFFFF086;
	s6 =	sadd.s32 @!p0 s3, s7;
	s7 =	simm.s32 @!p0 $0x108  }
0x21: {  	s3 =	sadd.s32 s3, s9;
	s6 =	sadd.s32 @!p0 $0x88, s6;
	s7 =	simm.s32 @p2 $0x1082  }
0x22: {  	[simem:s7], [sflag:s8] =	dma.local @!p0 [hbm:s6], $0xF7A  }
0x23: {  	s9 =	sor.u32 $0xD0000000, s2;
	s6 =	simm.s32 $0x108;
	_ =	swait.ge @!p0 [sflag:s8], $0x0  }
0x24: {  	s3 =	sadd.s32 $0x88, s3;
	s6 =	simm.s32 @!p1 $0x1082;
	[sflag:s4] =	ssyncset.s32 $0xFFFFF086  }
0x25: {  	[simem:s6], [sflag:s4] =	dma.local [hbm:s3], $0xF7A  }
0x26: {  	[smem:$0x3F9F] =	sst s1;
	(tag) =	ssettag s2;
	_ =	strace s9  }
0x27: {  	s1 =	sld [smem:$0x3FAF]  }
0x28: {  	s2 =	sld [smem:$0x3FB0]  }
0x29: {  	s4 =	sld [smem:$0x3FB2]  }
0x2a: {  	p0 =	seq.s32 s5, $0x0;
	s5 =	sld [smem:$0x3FB3]  }
0x2b: {  	s6 =	sld [smem:$0x3FB4]  }
0x2c: {  	s7 =	sld [smem:$0x3FB5]  }
0x2d: {  	s3 =	simm.s32 $0x108;
	s8 =	sld [smem:$0x3FB6]  }
0x2e: {  	s3 =	simm.s32 @!p0 $0x1082;
	s9 =	sld [smem:$0x3FB7]  }
0x2f: {  	lr =	sadd.s32 s0, s3;
	s0 =	sld [smem:$0x3FAE]  }
0x30: {  	s3 =	sld [smem:$0x3FB1]  }
0x31: {  	[smem:$0x3FBA] =	sst s10  }
0x32: {  	s10 =	sld [smem:$0x3FB8];
	_ =	sdelay $0x3  }
0x33: {  	p0 =	seq.s32 s10, $0x1;
	s10 =	sld [smem:$0x3FBA];
	_ =	sdelay $0x3  }
0x34: {  	[smem:$0x3FBA] =	sst s10  }
0x35: {  	s10 =	sld [smem:$0x3FB9];
	_ =	sdelay $0x3  }
0x36: {  	p1 =	seq.s32 s10, $0x1;
	s10 =	sld [smem:$0x3FBA];
	_ =	sdelay $0x3  }
0x37: {  	[smem:$0x3FBA] =	sst s10  }
0x38: {  	s10 =	sld [smem:$0x3FBB]  }
0x39: {  	_ = 	snop;
	(pc) =	sbr.ind lr, $3  }
0x3a: {  	_ = 	snop  }
0x3b: {  	_ = 	snop  }
0x3c: {  	p2 =	seq.s32 s10, $0x1;
	s10 =	sld [smem:$0x3FBA]  }
0x3d: {  	_ =	shalt  }
0x3e: {  	_ =	shalt  }
0x3f: {  	_ =	shalt  }
0x40: {  	_ =	shalt  }
0x41: {  	_ =	shalt  }
0x42: {  	_ =	shalt  }
0x43: {  	_ =	shalt  }
0x44: {  	_ =	shalt  }
0x45: {  	_ =	shalt  }
0x46: {  	_ =	shalt  }
0x47: {  	_ =	shalt  }
0x48: {  	_ =	shalt  }
0x49: {  	_ =	shalt  }
0x4a: {  	_ =	shalt  }
0x4b: {  	_ =	shalt  }
0x4c: {  	_ =	shalt  }
0x4d: {  	_ =	shalt  }
0x4e: {  	_ =	shalt  }
0x4f: {  	_ =	shalt  }
0x50: {  	_ =	shalt  }
0x51: {  	_ =	shalt  }
0x52: {  	_ =	shalt  }
0x53: {  	_ =	shalt  }
0x54: {  	_ =	shalt  }
0x55: {  	_ =	shalt  }
0x56: {  	_ =	shalt  }
0x57: {  	_ =	shalt  }
0x58: {  	_ =	shalt  }
0x59: {  	_ =	shalt  }
0x5a: {  	_ =	shalt  }
0x5b: {  	_ =	shalt  }
0x5c: {  	_ =	shalt  }
0x5d: {  	_ =	shalt  }
0x5e: {  	_ =	shalt  }
0x5f: {  	_ =	shalt  }
0x60: {  	_ =	shalt  }
0x61: {  	_ =	shalt  }
0x62: {  	_ =	shalt  }
0x63: {  	_ =	shalt  }
0x64: {  	_ =	shalt  }
0x65: {  	_ =	shalt  }
0x66: {  	_ =	shalt  }
0x67: {  	_ =	shalt  }
0x68: {  	_ =	shalt  }
0x69: {  	_ =	shalt  }
0x6a: {  	_ =	shalt  }
0x6b: {  	_ =	shalt  }
0x6c: {  	_ =	shalt  }
0x6d: {  	_ =	shalt  }
0x6e: {  	_ =	shalt  }
0x6f: {  	_ =	shalt  }
0x70: {  	_ =	shalt  }
0x71: {  	_ =	shalt  }
0x72: {  	_ =	shalt  }
0x73: {  	_ =	shalt  }
0x74: {  	_ =	shalt  }
0x75: {  	_ =	shalt  }
0x76: {  	_ =	shalt  }
0x77: {  	_ =	shalt  }
0x78: {  	_ =	shalt  }
0x79: {  	_ =	shalt  }
0x7a: {  	_ =	shalt  }
0x7b: {  	_ =	shalt  }
0x7c: {  	_ =	shalt  }
0x7d: {  	_ =	shalt  }
0x7e: {  	_ =	shalt  }
0x7f: {  	_ =	shalt  }
0x80: {  	_ =	shalt  }
0x81: {  	_ =	shalt  }
0x82: {  	_ =	shalt  }
0x83: {  	_ =	shalt  }
0x84: {  	_ =	shalt  }
0x85: {  	_ =	shalt  }
0x86: {  	_ =	shalt  }
0x87: {  	_ =	shalt  }
.Lfunc_end0:
.L_simem_size_0:
called_computation_lowered:
.L_overlay_start_0:
0x88: {  	s2 =	sld [smem:$0x3FD9]  }
0x89: {  	s3 =	sld [smem:$0x3FFE];
	_ =	sdelay $0x1  }
0x8a: {  	s1 =	srdreg.scid  }
0x8b: {  	s0 =	sand.u32 $0x1, s1  }
0x8c: {  	s17 =	sshll.u32 s0, $0xA;
	s2 =	sadd.s32 s3, s2  }
0x8d: {  	s2 =	sadd.s32 s2, s17  }
0x8e: {  	[smem:$0x3FC6] =	sst s2  }
0x8f: {  	_ = 	snop  }
0x90: {  	(tm) =	ssettm $0x1  }
0x91: {  	s18 =	sld [smem:$0x3FFB];
	_ =	sdelay $0x3  }
0x92: {  	_ =	strace s18  }
0x93: {  	s2 =	sld [smem:$0x3FFC];
	_ =	sdelay $0x3  }
0x94: {  	_ =	strace s2  }
0x95: {  	s2 =	sld [smem:$0x3FFD];
	_ =	sdelay $0x3  }
0x96: {  	_ =	strace s2  }
0x97: {  	_ =	strace $0x8FFFFFFF  }
0x98: {  	s19 =	sld [smem:$0x3FDB];
	_ =	sdelay $0x1  }
0x99: {  	s20 =	simm.s32 $_scs_section_size  }
0x9a: {  	s4 =	simm.s32 $_size__tile_overlayer_lowered;
	s5 =	simm.s32 $_tile_overlayer_lowered  }
0x9b: {  	s6 =	simm.s32 $0x1BFF;
	s21 =	sshll.u32 s5, $0x1;
	s3 =	sadd.s32 s20, s19  }
0x9c: {  	s22 =	simm.s32 $0x0;
	s4 =	sshll.u32 s4, $0x1;
	s5 =	sadd.s32 s21, s3  }
0x9d: {  	[timem:s22], [sflag:s6] =	dma.local [hbm:s5], s4  }
0x9e: {  	_ =	swait.ge [sflag:s6], s4  }
0x9f: {  	s4 =	ssub.s32 $0x0, s4;
	[sflag:s6] =	ssyncset.done $0x0  }
0xa0: {  	[sflag:s6] =	ssyncadd.s32 s4;
	_ =	sdelay $0x1  }
0xa1: {  	s23 =	simm.s32 $0x1B8B  }
0xa2: {  	_ =	swait.ge [sflag:s23], $0x1  }
0xa3: {  	[sflag:s23] =	ssyncset.done $0x0  }
0xa4: {  	[sflag:s23] =	ssyncadd.s32 $0xFFFFFFFF  }
0xa5: {  	s4 =	sld [smem:$0x0]  }
0xa6: {  	s5 =	sand.u32 $0xFFFFFFFE, s1  }
0xa7: {  	p0 =	sne.s32 s1, s5  }
0xa8: {  	s5 =	sshll.u32 @p0 s5, $0xE  }
0xa9: {  	s5 =	sadd.s32 @p0 $0x11B8D, s5;
	s6 =	sshll.u32 @p0 s4, $0x11  }
0xaa: {  	s5 =	sor.u32 @p0 s6, s5  }
0xab: {  	[sflag:s5] =	ssyncadd.remote.s32 @p0 $0x1;
	_ =	sdelay $0x1  }
0xac: {  	s5 =	simm.s32 @p0 $0x1B8D  }
0xad: {  	_ =	swait.eq @p0 [sflag:s5], $0x1  }
0xae: {  	[sflag:s5] =	ssyncadd.s32 @p0 $0xFFFFFFFF  }
0xaf: {  	s6 =	sshll.u32 @!p0 s1, $0xE  }
0xb0: {  	s6 =	sor.u32 @!p0 $0x4000, s6;
	s5 =	simm.s32 @!p0 $0x1B8D  }
0xb1: {  	s4 =	sshll.u32 @!p0 s4, $0x11;
	s6 =	sadd.s32 @!p0 $0x11B8D, s6;
	_ =	swait.eq @!p0 [sflag:s5], $0x1  }
0xb2: {  	s4 =	sor.u32 @!p0 s4, s6;
	[sflag:s5] =	ssyncadd.s32 @!p0 $0xFFFFFFFF  }
0xb3: {  	s25 =	simm.s32 $0x1B8E;
	s24 =	sld [smem:$0x3FFE];
	[sflag:s4] =	ssyncadd.remote.s32 @!p0 $0x1  }
0xb4: {  	s26 =	simm.s32 $execute0_lowered;
	[smem:$0x3FD2] =	sst s25  }
0xb5: {  	s5 =	sshll.u32 s26, $0x1;
	_ =	strace $0x80000049;
	[dreg:$0x1] =	wrdreg $0xFFFFFFFF  }
0xb6: {  	s28 =	simm.s32 $_size_execute0_lowered;
	s3 =	sadd.s32 s3, s5;
	[dreg:$0x0] =	wrdreg $0x0  }
0xb7: {  	s5 =	sshll.u32 s28, $0x1;
	[dreg:$0x2] =	wrdreg s3  }
0xb8: {  	[dreg:$0x3] =	wrdreg s5  }
0xb9: {  	[dreg:$0x4] =	wrdreg $0xC0  }
0xba: {  	_ =	task [dreg:s22], $0x5FFFF  }
0xbb: {  	[dreg:$0x1] =	wrdreg $0xFFFFFFFF  }
0xbc: {  	[dreg:$0x0] =	wrdreg $0x60  }
0xbd: {  	[dreg:$0x2] =	wrdreg s24  }
0xbe: {  	[dreg:$0x3] =	wrdreg $0x9  }
0xbf: {  	_ =	task.clear_ibuf [dreg:s22], $0x4FFFF;
	_ =	strace $0x90000049  }
0xc0: {  	s29 =	simm.s32 $0x9;
	_ =	strace $0x8000004B  }
0xc1: {  	_ =	swait.ge [sflag:s29], $0x1  }
0xc2: {  	[sflag:s29] =	ssyncadd.s32 $0xFFFFFFFF  }
0xc3: {  	_ =	strace $0x9000004B  }
0xc4: {  	_ =	sfence  }
0xc5: {  	s30 =	sld [smem:$0x0];
	_ =	sdelay $0x2  }
0xc6: {  	s31 =	sshll.u32 s1, $0xD;
	s1 =	sshrl.u32 s1, $0x2  }
0xc7: {  	s4 =	sand.u32 $0x4000, s31;
	s1 =	sadd.s32 s1, s30  }
0xc8: {  	s0 =	sor.u32 s4, s0;
	s1 =	sshll.u32 s1, $0x11  }
0xc9: {  	s0 =	sor.u32 s1, s0  }
0xca: {  	s0 =	sadd.s32 $0x8F2B, s0  }
0xcb: {  	[sflag:s0] =	ssyncadd.remote.s32 $0x1  }
0xcc: {  	_ =	sfence.sel $0xFFFF  }
0xcd: {  	[dreg:$0x0] =	wrdreg $0xFFFFFFFF;
	(pc) =	sbr.abs _section_cstart, $3  }
0xce: {  	[dreg:$0x1] =	wrdreg $0xFFFFFFFF  }
0xcf: {  	_ =	task.clear_ibuf [dreg:s22], $0x2FFFF;
	_ =	strace $0x9FFFFFFF  }
0xd0: {  	(tm) =	ssettm $0x7FFFFFFF  }
0xd1: {  	_ =	shalt  }
tec
execute0_lowered:
.L_overlay_start_1:
0x0: {  	(tag) =	ssettag $0x1  }
0x1: {  	s1 =	srdreg.scid;
	s0 =	stileid.u32  }
0x2: {  	s5 =	rddreg [dreg:$0x0];
	s2 =	simm.s32 $0x0;
	s10 =	simm.s32 $0x5C80  }
0x3: {  	s11 =	simm.s32 $0x0;
	s3 =	sand.u32 $0x1, s1;
	s30 =	sshll.u32 s0, $0x1  }
0x4: {  	s1 =	rddreg [dreg:$0x1];
	s9 =	smul.u32 $0xB800, s0;
	s4 =	sor.u32 s3, s30  }
0x5: {  	[smem:$0x7FF] =	sst s2;
	s7 =	ssub.s32 $0x2, s3;
	s6 =	smul.u32 $0x5C00, s4  }
0x6: {  	_ =	strace $0x8000004A;
	s31 =	smul.u32 $0x5C00, s3;
	s8 =	sshrl.u32 s7, $0x1  }
0x7: {  	v0 =	vlaneseq.u32;
	s4 =	sshll.u32 s4, $0x4;
	s7 =	ssub.s32 s7, s8;
	s6 =	sshrl.u32 s6, $0x3  }
0x8: {  	v1 =	vmul.u32 $0xFFFFFFFF, v0;
	s8 =	simm.s32 $0x1;
	s6 =	sadd.s32 s6, s5;
	s5 =	sadd.s32 s4, s5  }
0x9: {  	s3 =	sadd.s32 $0x9C00, s6;
	s4 =	sadd.s32 $0x20C00, s5;
	s5 =	sadd.s32 $0x20E00, s5  }
0xa: {  	v1 =	vadd.s32 $0xF, v1;
	s6 =	smax.u32 s7, $0x1;
	s7 =	sadd.s32 s31, s9;
	s9 =	simm.s32 $0x5C00  }
.LBB2_1:
0xb: {  	[tilespmem:s2], [sflag:$0x1] =	stream.linear.gather [hbm4b:s3+s2], $0x5C00, $0x38;
	[tilespmem:$0x5D00] =	vst v63  }
0xc: {  	_ =	swait.ge [sflag:s8], $0x5C00  }
0xd: {  	[sflag:s8] =	ssyncset.done $0x0  }
0xe: {  	s12 =	simm.s32 $0x0;
	[sflag:s8] =	ssyncadd.s32 $0xFFFFA400  }
0xf: {  	v2 =	vld [tilespmem:s12+$0x0];
	_ =	sdelay $0x3  }
0x10: {  	v3 =	vor.u32 s7, v0  }
0x11: {  	(xrf1) =	vsort.ascd.msk.f32 $0xffff, v2, v3;
	_ =	sdelay $0xa  }
0x12: {  	s31 =	simm.s32 $0x10  }
0x13: {  	v2 =	vld [tilespmem:s31+$0x0];
	_ =	sdelay $0x1  }
0x14: {  	v3, v4, _ =	vpop (xrf1)  }
0x15: {  	s12 =	sadd.s32 $0x10, s7;
	v3 =	vperm.xlane v3, v1  }
0x16: {  	v5 =	vimm.f32 $-Inf;
	v7 =	vor.u32 s12, v0;
	v4 =	vperm.xlane v4, v1  }
0x17: {  	v6 =	vimm.s32 $0x0;
	(xrf1) =	vsort.ascd.msk.f32 $0xffff, v2, v7;
	vm0 =	vge.f32 v5, v3  }
0x18: {  	v2 =	vsel vm0, v5, v3;
	v3 =	vsel vm0, v6, v4  }
0x19: {  	(xrf1) =	vsort.ascd.msk.f32 $0xffff, v2, v3;
	_ =	sdelay $0x8  }
0x1a: {  	s14 =	simm.s32 $0x20;
	s13 =	simm.s32 $0xC0  }
.LBB2_2:
0x1b: {  	p0 =	sne.s32 s13, $0x16FC0;
	v2 =	vld [tilespmem:s14+$0x0];
	_ =	sdelay $0x1  }
0x1c: {  	v3, v4, _ =	vpop (xrf1)  }
0x1d: {  	s12 =	sadd.s32 $0x10, s12;
	v3 =	vperm.xlane v3, v1  }
0x1e: {  	v5 =	vor.u32 s12, v0;
	v4 =	vperm.xlane v4, v1;
	v6, v7, _ =	vpop (xrf1)  }
0x1f: {  	(xrf1) =	vsort.ascd.msk.f32 $0xffff, v2, v5;
	vm0 =	vge.f32 v6, v3  }
0x20: {  	v2 =	vsel vm0, v6, v3;
	v3 =	vsel vm0, v7, v4  }
0x21: {  	(xrf1) =	vsort.ascd.msk.f32 $0xffff, v2, v3;
	_ =	sdelay $0x4  }
.Ltmp0:
0x22: {  	(pc) =	sbr.rel @p0 .LBB2_2-.Ltmp0, $2  }
0x23: {  	_ =	sdelay $0x2  }
0x24: {  	s14 =	sshra.s32 s13, $0x2;
	s13 =	sadd.s32 $0x40, s13  }
0x25: {  	v2 =	vld [tilespmem:s14+$0x0];
	_ =	sdelay $0x1  }
0x26: {  	v3, v4, _ =	vpop (xrf1)  }
0x27: {  	s12 =	sadd.s32 $0x10, s12;
	v3 =	vperm.xlane v3, v1  }
0x28: {  	v5 =	vor.u32 s12, v0;
	v4 =	vperm.xlane v4, v1;
	v6, v7, _ =	vpop (xrf1)  }
0x29: {  	(xrf1) =	vsort.ascd.msk.f32 $0xffff, v2, v5;
	vm0 =	vge.f32 v6, v3  }
0x2a: {  	v2 =	vsel vm0, v6, v3;
	v3 =	vsel vm0, v7, v4  }
0x2b: {  	(xrf1) =	vsort.ascd.msk.f32 $0xffff, v2, v3;
	_ =	sdelay $0xb  }
0x2c: {  	v2, v3, _ =	vpop (xrf1)  }
0x2d: {  	v2 =	vperm.xlane v2, v1  }
0x2e: {  	v3 =	vperm.xlane v3, v1;
	v63, v62, _ =	vpop (xrf1)  }
0x2f: {  	vm15 =	vge.f32 v63, v2  }
0x30: {  	v2 =	vsel vm15, v63, v2;
	v3 =	vsel vm15, v62, v3  }
0x31: {  	(xrf1) =	vsort.ascd.msk.f32 $0xffff, v2, v3;
	_ =	sdelay $0xd  }
0x32: {  	v2, v3, _ =	vpop (xrf1)  }
0x33: {  	[tilespmem:$0x5C00] =	vst v2  }
0x34: {  	[tilespmem:$0x5C80] =	vst v3  }
0x35: {  	[hbm4b:s4+s2] =	stream.linear.scatter [tilespmem:s9], [sflag:$0x1], $0x80, $0x38;
	[tilespmem:$0x5D00] =	vst v63  }
0x36: {  	s11 =	sadd.s32 $0x1, s11;
	_ =	swait.ge [sflag:s8], $0x80  }
0x37: {  	p0 =	sne.s32 s11, s6;
	[sflag:s8] =	ssyncset.done $0x0  }
.Ltmp1:
0x38: {  	[sflag:s8] =	ssyncadd.s32 $0xFFFFFF80;
	(pc) =	sbr.rel @p0 .LBB2_1-.Ltmp1, $4  }
0x39: {  	[hbm4b:s5+s2] =	stream.linear.scatter [tilespmem:s10], [sflag:$0x1], $0x80, $0x38;
	[tilespmem:$0x5D00] =	vst v63  }
0x3a: {  	_ =	swait.ge [sflag:s8], $0x80  }
0x3b: {  	[sflag:s8] =	ssyncset.done $0x0  }
0x3c: {  	[sflag:s8] =	ssyncadd.s32 $0xFFFFFF80  }
0x3d: {  	_ =	sfence.sel $0x180000  }
0x3e: {  	[bflag:$0x0] =	sbarrier.arrive $0xFFFF  }
0x3f: {  	p0 =	sne.s32 s0, $0x0;
	_ =	strace $0x9000004A  }
0x40: {  	s0 =	sadd.s32 @!p0 $0x100000, s1;
	[bflag:$0x2] =	sbarrier.arrive $0xFFFF  }
0x41: {  	[sflag:s0] =	ssyncadd.tile.s32 @!p0 $0x1;
	_ =	shalt  }
.Lfunc_end2:
_tile_overlayer_lowered:
.L_overlay_start_2:
0x42: {  	(tag) =	ssettag $0x2  }
0x43: {  	s0 =	rddreg [dreg:$0x0];
	s2 =	stileid.u32  }
0x44: {  	s1 =	rddreg [dreg:$0x1];
	p0 =	sne.s32 s2, $0x0  }
0x45: {  	s3 =	rddreg [dreg:$0x2];
	[bflag:$0x3] =	sbarrier.arrive $0xFFFF;
	s2 =	simm.s32 @!p0 $0x1C01  }
0x46: {  	[timem:s3], [sflag:s2] =	dma.local @!p0 [hbm:s0], s1  }
0x47: {  	s0 =	simm.s32 @!p0 $0x1  }
0x48: {  	_ =	swait.ge @!p0 [sflag:s0], s1  }
0x49: {  	s1 =	ssub.s32 @!p0 $0x0, s1;
	[sflag:s0] =	ssyncset.done @!p0 $0x0  }
0x4a: {  	[sflag:s0] =	ssyncadd.s32 @!p0 s1  }
0x4b: {  	[bflag:$0x3] =	sbarrier.arrive $0xFFFF  }
0x4c: {  	_ =	shalt  }

</sc_bundles>
